<compile_context>
chip_gen: v7x
topology: tpu7x:2x2x1
jax: 0.10.2.dev20260603
libtpu: 0.0.44.dev20260713+nightly
codegen_flags: <defaults>
</compile_context>

<pallas_src>
import functools

import jax
import jax.numpy as jnp
from jax import lax
from jax.experimental import pallas as pl
from jax.experimental.pallas import tpu as pltpu
from jax.experimental.pallas import tpu_sc as plsc

N = 10000
NPAD = 10240
E = 320000
D = 128
ROWW = D + 16
NC, NS = 2, 16
NW = NC * NS
CH = 256
NCHUNKS = E // CH
SLOTS = 40
ZPT = NPAD // NS
DPT = N // NS


def _sc_body(xpad_hbm, ei_hbm, zeros_hbm, out_hbm,
             eidx0, eidx1, rows, acc,
             si0, si1, sg0, sg1, ss0, ss1, sz):
    c = lax.axis_index("c")
    s = lax.axis_index("s")
    wid = c * NS + s

    zslice = acc.at[pl.ds(pl.multiple_of(s * ZPT, 8), ZPT)]
    pltpu.async_copy(zeros_hbm, zslice, sz)

    def off(t):
        return jnp.minimum(wid + t * NW, NCHUNKS - 1) * CH

    def idx_start(t, ebuf, sem):
        pltpu.async_copy(ei_hbm.at[:, pl.ds(off(t), CH)], ebuf, sem)

    def idx_wait(ebuf, sem):
        pltpu.make_async_copy(ei_hbm.at[:, pl.ds(0, CH)], ebuf, sem).wait()

    H = CH // 2

    def gath(ebuf):
        pltpu.async_copy(xpad_hbm.at[ebuf.at[0, pl.ds(0, H)]],
                         rows.at[pl.ds(0, H)], sg0)
        pltpu.async_copy(xpad_hbm.at[ebuf.at[0, pl.ds(H, H)]],
                         rows.at[pl.ds(H, H)], sg1)

    def gwait(ebuf):
        pltpu.make_async_copy(xpad_hbm.at[ebuf.at[0, pl.ds(0, H)]],
                              rows.at[pl.ds(0, H)], sg0).wait()
        pltpu.make_async_copy(xpad_hbm.at[ebuf.at[0, pl.ds(H, H)]],
                              rows.at[pl.ds(H, H)], sg1).wait()

    def scat(t, ebuf):
        @pl.when(wid + t * NW < NCHUNKS)
        def _():
            pltpu.async_copy(rows.at[pl.ds(0, H)],
                             acc.at[ebuf.at[1, pl.ds(0, H)]], ss0, add=True)
            pltpu.async_copy(rows.at[pl.ds(H, H)],
                             acc.at[ebuf.at[1, pl.ds(H, H)]], ss1, add=True)
            pltpu.make_async_copy(rows.at[pl.ds(0, H)],
                                  acc.at[ebuf.at[1, pl.ds(0, H)]], ss0).wait()
            pltpu.make_async_copy(rows.at[pl.ds(H, H)],
                                  acc.at[ebuf.at[1, pl.ds(H, H)]], ss1).wait()

    idx_start(0, eidx0, si0)
    idx_start(1, eidx1, si1)
    idx_wait(eidx0, si0)
    gath(eidx0)
    pltpu.make_async_copy(zeros_hbm, zslice, sz).wait()
    plsc.subcore_barrier()

    def body(i, carry):
        a = 2 * i
        b = a + 1
        gwait(eidx0)
        scat(a, eidx0)
        idx_start(a + 2, eidx0, si0)
        idx_wait(eidx1, si1)
        gath(eidx1)
        gwait(eidx1)
        scat(b, eidx1)
        idx_start(b + 2, eidx1, si1)
        idx_wait(eidx0, si0)
        gath(eidx0)
        return carry

    lax.fori_loop(0, SLOTS // 2, body, 0)
    idx_wait(eidx1, si1)
    gwait(eidx0)

    plsc.subcore_barrier()
    pltpu.sync_copy(acc.at[pl.ds(s * DPT, DPT)],
                    out_hbm.at[pl.ds(c * N + s * DPT, DPT)])


_sc_aggregate = functools.partial(
    pl.kernel,
    out_type=jax.ShapeDtypeStruct((NC * N, ROWW), jnp.float32),
    mesh=plsc.VectorSubcoreMesh(core_axis_name="c", subcore_axis_name="s",
                                num_cores=NC, num_subcores=NS),
    scratch_types=[
        pltpu.VMEM((2, CH), jnp.int32),
        pltpu.VMEM((2, CH), jnp.int32),
        pltpu.VMEM((CH, ROWW), jnp.float32),
        pltpu.VMEM_SHARED((NPAD, ROWW), jnp.float32),
        pltpu.SemaphoreType.DMA,
        pltpu.SemaphoreType.DMA,
        pltpu.SemaphoreType.DMA,
        pltpu.SemaphoreType.DMA,
        pltpu.SemaphoreType.DMA,
        pltpu.SemaphoreType.DMA,
        pltpu.SemaphoreType.DMA,
    ],
    compiler_params=pltpu.CompilerParams(use_tc_tiling_on_sc=False),
)(_sc_body)


def _tc_body(p_ref, x_ref, wl_ref, wr_ref, b_ref, o_ref):
    p = p_ref[0] + p_ref[1]
    cnt = p[:, D:D + 1]
    mean = p[:, :D] / jnp.maximum(cnt, 1.0)
    dn = (((1,), (1,)), ((), ()))
    o_ref[...] = (
        lax.dot_general(mean, wl_ref[...], dn,
                        preferred_element_type=jnp.float32)
        + lax.dot_general(x_ref[...], wr_ref[...], dn,
                          preferred_element_type=jnp.float32)
        + b_ref[...]
    )


def _tc_combine(partial, x, w_l, w_r, b2):
    R = 2000
    grid = (N // R,)
    return pl.pallas_call(
        _tc_body,
        grid=grid,
        in_specs=[
            pl.BlockSpec((NC, R, ROWW), lambda i: (0, i, 0)),
            pl.BlockSpec((R, D), lambda i: (i, 0)),
            pl.BlockSpec((D, D), lambda i: (0, 0)),
            pl.BlockSpec((D, D), lambda i: (0, 0)),
            pl.BlockSpec((1, D), lambda i: (0, 0)),
        ],
        out_specs=pl.BlockSpec((R, D), lambda i: (i, 0)),
        out_shape=jax.ShapeDtypeStruct((N, D), jnp.float32),
    )(partial, x, w_l, w_r, b2)


def kernel(x, edge_index, W_l, b_l, W_r):
    xpad = jnp.concatenate([x, jnp.ones((N, ROWW - D), jnp.float32)], axis=1)
    zeros = jnp.zeros((ZPT, ROWW), jnp.float32)
    partial = _sc_aggregate(xpad, edge_index, zeros)
    partial = partial.reshape(NC, N, ROWW)
    return _tc_combine(partial, x, W_l, W_r, b_l.reshape(1, D))

# --- scband reference (transcript-rebuilt; emitter-appended) ---
"""Pipeline reference for scband-sage-42812234006571 (READ-ONLY COPY).

The authoritative reference and input builder live on the scoring server;
editing this copy changes nothing except your own understanding.
"""

import jax, jax.numpy as jnp
import numpy as np

N = 10000
E = 320000
D_IN = 128
D_OUT = 128


def setup_inputs(seed: int = 0) -> dict:
    key = jax.random.key(seed)
    k1, k2, k3, k4, k5 = jax.random.split(key, 5)
    x = jax.random.normal(k1, (N, D_IN), dtype=jnp.float32)
    edge_index = jax.random.randint(k2, (2, E), 0, N, dtype=jnp.int32)
    # PyG SAGEConv params: lin_l (applied to aggregated neighbors, with bias),
    # lin_r (applied to root/target nodes, no bias)
    W_l = jax.random.normal(k3, (D_OUT, D_IN), dtype=jnp.float32) * (1.0 / np.sqrt(D_IN))
    b_l = jnp.zeros((D_OUT,), dtype=jnp.float32)
    W_r = jax.random.normal(k4, (D_OUT, D_IN), dtype=jnp.float32) * (1.0 / np.sqrt(D_IN))
    return {"x": x, "edge_index": edge_index, "W_l": W_l, "b_l": b_l, "W_r": W_r}


def reference(x, edge_index, W_l, b_l, W_r):
    # adjs = [(edge_index, None, (N, N))]; single SAGEConv layer (layer_dims=[]),
    # so no relu/dropout is applied after the conv.
    src = edge_index[0]
    dst = edge_index[1]
    x_target = x[:N]  # size[1] == N -> full set of nodes as targets
    # SAGEConv with mean aggregation:
    msg = jnp.take(x, src, axis=0)                      # gather source features [E, D_IN]
    agg = jax.ops.segment_sum(msg, dst, num_segments=N)  # scatter-add to targets
    cnt = jax.ops.segment_sum(jnp.ones((msg.shape[0], 1), x.dtype), dst, num_segments=N)
    mean = agg / jnp.clip(cnt, 1.0)                      # mean aggregation (0 for isolated nodes)
    out = mean @ W_l.T + b_l + x_target @ W_r.T
    return out

if __name__ == "__main__":
    import jax
    _d = setup_inputs()
    print(jax.jit(kernel)(*tuple(_d.values())))

</pallas_src>

<mosaic_0001>
#map = affine_map<(d0, d1) -> (0, 0)>
module attributes {stable_mosaic.version = 14 : i64} {
  func.func @_sc_body(%arg0: i32, %arg1: i32, %arg2: memref<10000x144xf32, #tpu.memory_space<hbm>>, %arg3: memref<2x320000xi32, #tpu.memory_space<hbm>>, %arg4: memref<640x144xf32, #tpu.memory_space<hbm>>, %arg5: memref<20000x144xf32, #tpu.memory_space<hbm>>, %arg6: memref<2x256xi32, #tpu.memory_space<vmem>>, %arg7: memref<2x256xi32, #tpu.memory_space<vmem>>, %arg8: memref<256x144xf32, #tpu.memory_space<vmem>>, %arg9: memref<10240x144xf32, #tpu.memory_space<vmem_shared>>, %arg10: memref<!tpu.dma_semaphore, #tpu.memory_space<semaphore_mem>>, %arg11: memref<!tpu.dma_semaphore, #tpu.memory_space<semaphore_mem>>, %arg12: memref<!tpu.dma_semaphore, #tpu.memory_space<semaphore_mem>>, %arg13: memref<!tpu.dma_semaphore, #tpu.memory_space<semaphore_mem>>, %arg14: memref<!tpu.dma_semaphore, #tpu.memory_space<semaphore_mem>>, %arg15: memref<!tpu.dma_semaphore, #tpu.memory_space<semaphore_mem>>, %arg16: memref<!tpu.dma_semaphore, #tpu.memory_space<semaphore_mem>>) attributes {dimension_semantics = [#tpu.dimension_semantics<core_parallel>, #tpu.dimension_semantics<subcore_parallel>], iteration_bounds = array<i64: 2, 16>, scalar_prefetch = 0 : i64, scratch_operands = 11 : i64, tpu.core_type = #tpu.core_type<sc_vector_subcore>, window_params = [{transform_indices = #map}, {transform_indices = #map}, {transform_indices = #map}, {transform_indices = #map}]} {
    %mul3A = arith.constant 16 : i32
    %mul3A_0 = arith.muli %arg0, %mul3A : i32
    %add3A = arith.addi %mul3A_0, %arg1 : i32
    %mul3A_1 = arith.constant 640 : i32
    %mul3A_2 = arith.muli %arg1, %mul3A_1 : i32
    %multiple_of3A = tpu.assume_multiple %mul3A_2, 8 : i32
    %dma_start3A = arith.constant 0 : i32
    %dma_start3A_3 = tpu.memref_slice %arg9[%multiple_of3A, %dma_start3A] : memref<10240x144xf32, #tpu.memory_space<vmem_shared>> -> memref<640x144xf32, #tpu.memory_space<vmem_shared>>
    tpu.enqueue_dma source(%arg4 : memref<640x144xf32, #tpu.memory_space<hbm>>) target(%dma_start3A_3 : memref<640x144xf32, #tpu.memory_space<vmem_shared>>) target_semaphore(%arg16 : memref<!tpu.dma_semaphore, #tpu.memory_space<semaphore_mem>>)
    %add3A_4 = arith.constant 0 : i32
    %add3A_5 = arith.addi %add3A, %add3A_4 : i32
    %min3A = arith.constant 1249 : i32
    %min3A_6 = arith.minsi %add3A_5, %min3A : i32
    %mul3A_7 = arith.constant 256 : i32
    %mul3A_8 = arith.muli %min3A_6, %mul3A_7 : i32
    %dma_start3A_9 = arith.constant 0 : i32
    %dma_start3A_10 = tpu.memref_slice %arg3[%dma_start3A_9, %mul3A_8] : memref<2x320000xi32, #tpu.memory_space<hbm>> -> memref<2x256xi32, #tpu.memory_space<hbm>>
    %dma_start3A_11 = arith.constant 0 : i32
    %dma_start3A_12 = tpu.memref_slice %arg3[%dma_start3A_11, %mul3A_8] : memref<2x320000xi32, #tpu.memory_space<hbm>> -> memref<2x256xi32, #tpu.memory_space<hbm>>
    tpu.enqueue_dma source(%dma_start3A_12 : memref<2x256xi32, #tpu.memory_space<hbm>>) target(%arg6 : memref<2x256xi32, #tpu.memory_space<vmem>>) target_semaphore(%arg10 : memref<!tpu.dma_semaphore, #tpu.memory_space<semaphore_mem>>)
    %add3A_13 = arith.constant 32 : i32
    %add3A_14 = arith.addi %add3A, %add3A_13 : i32
    %min3A_15 = arith.constant 1249 : i32
    %min3A_16 = arith.minsi %add3A_14, %min3A_15 : i32
    %mul3A_17 = arith.constant 256 : i32
    %mul3A_18 = arith.muli %min3A_16, %mul3A_17 : i32
    %dma_start3A_19 = arith.constant 0 : i32
    %dma_start3A_20 = tpu.memref_slice %arg3[%dma_start3A_19, %mul3A_18] : memref<2x320000xi32, #tpu.memory_space<hbm>> -> memref<2x256xi32, #tpu.memory_space<hbm>>
    %dma_start3A_21 = arith.constant 0 : i32
    %dma_start3A_22 = tpu.memref_slice %arg3[%dma_start3A_21, %mul3A_18] : memref<2x320000xi32, #tpu.memory_space<hbm>> -> memref<2x256xi32, #tpu.memory_space<hbm>>
    tpu.enqueue_dma source(%dma_start3A_22 : memref<2x256xi32, #tpu.memory_space<hbm>>) target(%arg7 : memref<2x256xi32, #tpu.memory_space<vmem>>) target_semaphore(%arg11 : memref<!tpu.dma_semaphore, #tpu.memory_space<semaphore_mem>>)
    %dma_wait3A = arith.constant 0 : i32
    %dma_wait3A_23 = arith.constant 0 : i32
    %dma_wait3A_24 = tpu.memref_slice %arg3[%dma_wait3A, %dma_wait3A_23] : memref<2x320000xi32, #tpu.memory_space<hbm>> -> memref<2x256xi32, #tpu.memory_space<hbm>>
    %dma_wait3A_25 = arith.constant 0 : i32
    %dma_wait3A_26 = arith.constant 0 : i32
    %dma_wait3A_27 = tpu.memref_slice %arg3[%dma_wait3A_25, %dma_wait3A_26] : memref<2x320000xi32, #tpu.memory_space<hbm>> -> memref<2x256xi32, #tpu.memory_space<hbm>>
    tpu.wait_dma2 semaphore(%arg10 : memref<!tpu.dma_semaphore, #tpu.memory_space<semaphore_mem>>) src(%dma_wait3A_27 : memref<2x256xi32, #tpu.memory_space<hbm>>) dst(%arg6 : memref<2x256xi32, #tpu.memory_space<vmem>>)
    %dma_start3A_28 = arith.constant 0 : i32
    %dma_start3A_29 = arith.constant 0 : i32
    %dma_start3A_30 = arith.constant 0 : i32
    %dma_start3A_31 = tpu.memref_slice %arg8[%dma_start3A_29, %dma_start3A_30] : memref<256x144xf32, #tpu.memory_space<vmem>> -> memref<128x144xf32, #tpu.memory_space<vmem>>
    %dma_start3A_32 = arith.constant 0 : i32
    %dma_start3A_33 = tpu.memref_slice %arg6[%dma_start3A_28, %dma_start3A_32] : memref<2x256xi32, #tpu.memory_space<vmem>> -> memref<1x128xi32, #tpu.memory_space<vmem>>
    %dma_start3A_34 = tpu.memref_squeeze %dma_start3A_33 : memref<1x128xi32, #tpu.memory_space<vmem>> -> memref<128xi32, #tpu.memory_space<vmem>>
    %dma_start3A_35 = arith.constant 0 : i32
    %dma_start3A_36 = arith.constant 0 : i32
    %dma_start3A_37 = tpu.memref_slice %arg2[%dma_start3A_35, %dma_start3A_36] : memref<10000x144xf32, #tpu.memory_space<hbm>> -> memref<10000x144xf32, #tpu.memory_space<hbm>>
    tpu.enqueue_indirect_dma source(%dma_start3A_37 : memref<10000x144xf32, #tpu.memory_space<hbm>>) target(%dma_start3A_31 : memref<128x144xf32, #tpu.memory_space<vmem>>) offsets(%dma_start3A_34 : memref<128xi32, #tpu.memory_space<vmem>>) semaphore(%arg12 : memref<!tpu.dma_semaphore, #tpu.memory_space<semaphore_mem>>)
    %dma_start3A_38 = arith.constant 0 : i32
    %dma_start3A_39 = arith.constant 128 : i32
    %dma_start3A_40 = arith.constant 0 : i32
    %dma_start3A_41 = tpu.memref_slice %arg8[%dma_start3A_39, %dma_start3A_40] : memref<256x144xf32, #tpu.memory_space<vmem>> -> memref<128x144xf32, #tpu.memory_space<vmem>>
    %dma_start3A_42 = arith.constant 128 : i32
    %dma_start3A_43 = tpu.memref_slice %arg6[%dma_start3A_38, %dma_start3A_42] : memref<2x256xi32, #tpu.memory_space<vmem>> -> memref<1x128xi32, #tpu.memory_space<vmem>>
    %dma_start3A_44 = tpu.memref_squeeze %dma_start3A_43 : memref<1x128xi32, #tpu.memory_space<vmem>> -> memref<128xi32, #tpu.memory_space<vmem>>
    %dma_start3A_45 = arith.constant 0 : i32
    %dma_start3A_46 = arith.constant 0 : i32
    %dma_start3A_47 = tpu.memref_slice %arg2[%dma_start3A_45, %dma_start3A_46] : memref<10000x144xf32, #tpu.memory_space<hbm>> -> memref<10000x144xf32, #tpu.memory_space<hbm>>
    tpu.enqueue_indirect_dma source(%dma_start3A_47 : memref<10000x144xf32, #tpu.memory_space<hbm>>) target(%dma_start3A_41 : memref<128x144xf32, #tpu.memory_space<vmem>>) offsets(%dma_start3A_44 : memref<128xi32, #tpu.memory_space<vmem>>) semaphore(%arg13 : memref<!tpu.dma_semaphore, #tpu.memory_space<semaphore_mem>>)
    %dma_wait3A_48 = arith.constant 0 : i32
    %dma_wait3A_49 = tpu.memref_slice %arg9[%multiple_of3A, %dma_wait3A_48] : memref<10240x144xf32, #tpu.memory_space<vmem_shared>> -> memref<640x144xf32, #tpu.memory_space<vmem_shared>>
    tpu.wait_dma2 semaphore(%arg16 : memref<!tpu.dma_semaphore, #tpu.memory_space<semaphore_mem>>) src(%arg4 : memref<640x144xf32, #tpu.memory_space<hbm>>) dst(%dma_wait3A_49 : memref<640x144xf32, #tpu.memory_space<vmem_shared>>)
    %barrier3A = arith.constant 0 : index
    tpu.barrier barrier_id(%barrier3A)
    %scan3A = arith.constant 0 : i32
    %scan3A_50 = arith.constant 0 : i32
    %scan3A_51 = arith.constant 20 : i32
    %scan3A_52 = arith.addi %scan3A_50, %scan3A_51 : i32
    %scan3A_53 = arith.constant 1 : i32
    scf.for %scan3A_89 = %scan3A_50 to %scan3A_52 step %scan3A_53  : i32 {
      %mul3A_90 = arith.constant 2 : i32
      %mul3A_91 = arith.muli %mul3A_90, %scan3A_89 : i32
      %add3A_92 = arith.constant 1 : i32
      %add3A_93 = arith.addi %mul3A_91, %add3A_92 : i32
      %dma_wait3A_94 = arith.constant 0 : i32
      %dma_wait3A_95 = arith.constant 0 : i32
      %dma_wait3A_96 = arith.constant 0 : i32
      %dma_wait3A_97 = tpu.memref_slice %arg8[%dma_wait3A_95, %dma_wait3A_96] : memref<256x144xf32, #tpu.memory_space<vmem>> -> memref<128x144xf32, #tpu.memory_space<vmem>>
      %dma_wait3A_98 = arith.constant 0 : i32
      %dma_wait3A_99 = tpu.memref_slice %arg6[%dma_wait3A_94, %dma_wait3A_98] : memref<2x256xi32, #tpu.memory_space<vmem>> -> memref<1x128xi32, #tpu.memory_space<vmem>>
      %dma_wait3A_100 = tpu.memref_squeeze %dma_wait3A_99 : memref<1x128xi32, #tpu.memory_space<vmem>> -> memref<128xi32, #tpu.memory_space<vmem>>
      %dma_wait3A_101 = arith.constant 0 : i32
      %dma_wait3A_102 = arith.constant 0 : i32
      %dma_wait3A_103 = tpu.memref_slice %arg2[%dma_wait3A_101, %dma_wait3A_102] : memref<10000x144xf32, #tpu.memory_space<hbm>> -> memref<10000x144xf32, #tpu.memory_space<hbm>>
      tpu.wait_indirect_dma semaphore(%arg12 : memref<!tpu.dma_semaphore, #tpu.memory_space<semaphore_mem>>) src(%dma_wait3A_103 : memref<10000x144xf32, #tpu.memory_space<hbm>>) dst(%dma_wait3A_97 : memref<128x144xf32, #tpu.memory_space<vmem>>)
      %dma_wait3A_104 = arith.constant 0 : i32
      %dma_wait3A_105 = arith.constant 128 : i32
      %dma_wait3A_106 = arith.constant 0 : i32
      %dma_wait3A_107 = tpu.memref_slice %arg8[%dma_wait3A_105, %dma_wait3A_106] : memref<256x144xf32, #tpu.memory_space<vmem>> -> memref<128x144xf32, #tpu.memory_space<vmem>>
      %dma_wait3A_108 = arith.constant 128 : i32
      %dma_wait3A_109 = tpu.memref_slice %arg6[%dma_wait3A_104, %dma_wait3A_108] : memref<2x256xi32, #tpu.memory_space<vmem>> -> memref<1x128xi32, #tpu.memory_space<vmem>>
      %dma_wait3A_110 = tpu.memref_squeeze %dma_wait3A_109 : memref<1x128xi32, #tpu.memory_space<vmem>> -> memref<128xi32, #tpu.memory_space<vmem>>
      %dma_wait3A_111 = arith.constant 0 : i32
      %dma_wait3A_112 = arith.constant 0 : i32
      %dma_wait3A_113 = tpu.memref_slice %arg2[%dma_wait3A_111, %dma_wait3A_112] : memref<10000x144xf32, #tpu.memory_space<hbm>> -> memref<10000x144xf32, #tpu.memory_space<hbm>>
      tpu.wait_indirect_dma semaphore(%arg13 : memref<!tpu.dma_semaphore, #tpu.memory_space<semaphore_mem>>) src(%dma_wait3A_113 : memref<10000x144xf32, #tpu.memory_space<hbm>>) dst(%dma_wait3A_107 : memref<128x144xf32, #tpu.memory_space<vmem>>)
      %mul3A_114 = arith.constant 32 : i32
      %mul3A_115 = arith.muli %mul3A_91, %mul3A_114 : i32
      %add3A_116 = arith.addi %add3A, %mul3A_115 : i32
      %lt3A = arith.constant 1250 : i32
      %lt3A_117 = arith.cmpi slt, %add3A_116, %lt3A : i32
      %convert_element_type3A = arith.extui %lt3A_117 : i1 to i32
      %cond3A = arith.constant 0 : i32
      %cond3A_118 = arith.cmpi ne, %convert_element_type3A, %cond3A : i32
      scf.if %cond3A_118 {
        %dma_start3A_225 = arith.constant 1 : i32
        %dma_start3A_226 = arith.constant 0 : i32
        %dma_start3A_227 = arith.constant 0 : i32
        %dma_start3A_228 = tpu.memref_slice %arg8[%dma_start3A_226, %dma_start3A_227] : memref<256x144xf32, #tpu.memory_space<vmem>> -> memref<128x144xf32, #tpu.memory_space<vmem>>
        %dma_start3A_229 = arith.constant 0 : i32
        %dma_start3A_230 = tpu.memref_slice %arg6[%dma_start3A_225, %dma_start3A_229] : memref<2x256xi32, #tpu.memory_space<vmem>> -> memref<1x128xi32, #tpu.memory_space<vmem>>
        %dma_start3A_231 = tpu.memref_squeeze %dma_start3A_230 : memref<1x128xi32, #tpu.memory_space<vmem>> -> memref<128xi32, #tpu.memory_space<vmem>>
        %dma_start3A_232 = arith.constant 0 : i32
        %dma_start3A_233 = arith.constant 0 : i32
        %dma_start3A_234 = tpu.memref_slice %arg9[%dma_start3A_232, %dma_start3A_233] : memref<10240x144xf32, #tpu.memory_space<vmem_shared>> -> memref<10240x144xf32, #tpu.memory_space<vmem_shared>>
        tpu.enqueue_indirect_dma source(%dma_start3A_228 : memref<128x144xf32, #tpu.memory_space<vmem>>) target(%dma_start3A_234 : memref<10240x144xf32, #tpu.memory_space<vmem_shared>>) offsets(%dma_start3A_231 : memref<128xi32, #tpu.memory_space<vmem>>) semaphore(%arg14 : memref<!tpu.dma_semaphore, #tpu.memory_space<semaphore_mem>>) {add = true}
        %dma_start3A_235 = arith.constant 1 : i32
        %dma_start3A_236 = arith.constant 128 : i32
        %dma_start3A_237 = arith.constant 0 : i32
        %dma_start3A_238 = tpu.memref_slice %arg8[%dma_start3A_236, %dma_start3A_237] : memref<256x144xf32, #tpu.memory_space<vmem>> -> memref<128x144xf32, #tpu.memory_space<vmem>>
        %dma_start3A_239 = arith.constant 128 : i32
        %dma_start3A_240 = tpu.memref_slice %arg6[%dma_start3A_235, %dma_start3A_239] : memref<2x256xi32, #tpu.memory_space<vmem>> -> memref<1x128xi32, #tpu.memory_space<vmem>>
        %dma_start3A_241 = tpu.memref_squeeze %dma_start3A_240 : memref<1x128xi32, #tpu.memory_space<vmem>> -> memref<128xi32, #tpu.memory_space<vmem>>
        %dma_start3A_242 = arith.constant 0 : i32
        %dma_start3A_243 = arith.constant 0 : i32
        %dma_start3A_244 = tpu.memref_slice %arg9[%dma_start3A_242, %dma_start3A_243] : memref<10240x144xf32, #tpu.memory_space<vmem_shared>> -> memref<10240x144xf32, #tpu.memory_space<vmem_shared>>
        tpu.enqueue_indirect_dma source(%dma_start3A_238 : memref<128x144xf32, #tpu.memory_space<vmem>>) target(%dma_start3A_244 : memref<10240x144xf32, #tpu.memory_space<vmem_shared>>) offsets(%dma_start3A_241 : memref<128xi32, #tpu.memory_space<vmem>>) semaphore(%arg15 : memref<!tpu.dma_semaphore, #tpu.memory_space<semaphore_mem>>) {add = true}
        %dma_wait3A_245 = arith.constant 1 : i32
        %dma_wait3A_246 = arith.constant 0 : i32
        %dma_wait3A_247 = arith.constant 0 : i32
        %dma_wait3A_248 = tpu.memref_slice %arg8[%dma_wait3A_246, %dma_wait3A_247] : memref<256x144xf32, #tpu.memory_space<vmem>> -> memref<128x144xf32, #tpu.memory_space<vmem>>
        %dma_wait3A_249 = arith.constant 0 : i32
        %dma_wait3A_250 = tpu.memref_slice %arg6[%dma_wait3A_245, %dma_wait3A_249] : memref<2x256xi32, #tpu.memory_space<vmem>> -> memref<1x128xi32, #tpu.memory_space<vmem>>
        %dma_wait3A_251 = tpu.memref_squeeze %dma_wait3A_250 : memref<1x128xi32, #tpu.memory_space<vmem>> -> memref<128xi32, #tpu.memory_space<vmem>>
        %dma_wait3A_252 = arith.constant 0 : i32
        %dma_wait3A_253 = arith.constant 0 : i32
        %dma_wait3A_254 = tpu.memref_slice %arg9[%dma_wait3A_252, %dma_wait3A_253] : memref<10240x144xf32, #tpu.memory_space<vmem_shared>> -> memref<10240x144xf32, #tpu.memory_space<vmem_shared>>
        tpu.wait_indirect_dma semaphore(%arg14 : memref<!tpu.dma_semaphore, #tpu.memory_space<semaphore_mem>>) src(%dma_wait3A_248 : memref<128x144xf32, #tpu.memory_space<vmem>>) dst(%dma_wait3A_254 : memref<10240x144xf32, #tpu.memory_space<vmem_shared>>)
        %dma_wait3A_255 = arith.constant 1 : i32
        %dma_wait3A_256 = arith.constant 128 : i32
        %dma_wait3A_257 = arith.constant 0 : i32
        %dma_wait3A_258 = tpu.memref_slice %arg8[%dma_wait3A_256, %dma_wait3A_257] : memref<256x144xf32, #tpu.memory_space<vmem>> -> memref<128x144xf32, #tpu.memory_space<vmem>>
        %dma_wait3A_259 = arith.constant 128 : i32
        %dma_wait3A_260 = tpu.memref_slice %arg6[%dma_wait3A_255, %dma_wait3A_259] : memref<2x256xi32, #tpu.memory_space<vmem>> -> memref<1x128xi32, #tpu.memory_space<vmem>>
        %dma_wait3A_261 = tpu.memref_squeeze %dma_wait3A_260 : memref<1x128xi32, #tpu.memory_space<vmem>> -> memref<128xi32, #tpu.memory_space<vmem>>
        %dma_wait3A_262 = arith.constant 0 : i32
        %dma_wait3A_263 = arith.constant 0 : i32
        %dma_wait3A_264 = tpu.memref_slice %arg9[%dma_wait3A_262, %dma_wait3A_263] : memref<10240x144xf32, #tpu.memory_space<vmem_shared>> -> memref<10240x144xf32, #tpu.memory_space<vmem_shared>>
        tpu.wait_indirect_dma semaphore(%arg15 : memref<!tpu.dma_semaphore, #tpu.memory_space<semaphore_mem>>) src(%dma_wait3A_258 : memref<128x144xf32, #tpu.memory_space<vmem>>) dst(%dma_wait3A_264 : memref<10240x144xf32, #tpu.memory_space<vmem_shared>>)
      } else {
      }
      %add3A_119 = arith.constant 2 : i32
      %add3A_120 = arith.addi %mul3A_91, %add3A_119 : i32
      %mul3A_121 = arith.constant 32 : i32
      %mul3A_122 = arith.muli %add3A_120, %mul3A_121 : i32
      %add3A_123 = arith.addi %add3A, %mul3A_122 : i32
      %min3A_124 = arith.constant 1249 : i32
      %min3A_125 = arith.minsi %add3A_123, %min3A_124 : i32
      %mul3A_126 = arith.constant 256 : i32
      %mul3A_127 = arith.muli %min3A_125, %mul3A_126 : i32
      %dma_start3A_128 = arith.constant 0 : i32
      %dma_start3A_129 = tpu.memref_slice %arg3[%dma_start3A_128, %mul3A_127] : memref<2x320000xi32, #tpu.memory_space<hbm>> -> memref<2x256xi32, #tpu.memory_space<hbm>>
      %dma_start3A_130 = arith.constant 0 : i32
      %dma_start3A_131 = tpu.memref_slice %arg3[%dma_start3A_130, %mul3A_127] : memref<2x320000xi32, #tpu.memory_space<hbm>> -> memref<2x256xi32, #tpu.memory_space<hbm>>
      tpu.enqueue_dma source(%dma_start3A_131 : memref<2x256xi32, #tpu.memory_space<hbm>>) target(%arg6 : memref<2x256xi32, #tpu.memory_space<vmem>>) target_semaphore(%arg10 : memref<!tpu.dma_semaphore, #tpu.memory_space<semaphore_mem>>)
      %dma_wait3A_132 = arith.constant 0 : i32
      %dma_wait3A_133 = arith.constant 0 : i32
      %dma_wait3A_134 = tpu.memref_slice %arg3[%dma_wait3A_132, %dma_wait3A_133] : memref<2x320000xi32, #tpu.memory_space<hbm>> -> memref<2x256xi32, #tpu.memory_space<hbm>>
      %dma_wait3A_135 = arith.constant 0 : i32
      %dma_wait3A_136 = arith.constant 0 : i32
      %dma_wait3A_137 = tpu.memref_slice %arg3[%dma_wait3A_135, %dma_wait3A_136] : memref<2x320000xi32, #tpu.memory_space<hbm>> -> memref<2x256xi32, #tpu.memory_space<hbm>>
      tpu.wait_dma2 semaphore(%arg11 : memref<!tpu.dma_semaphore, #tpu.memory_space<semaphore_mem>>) src(%dma_wait3A_137 : memref<2x256xi32, #tpu.memory_space<hbm>>) dst(%arg7 : memref<2x256xi32, #tpu.memory_space<vmem>>)
      %dma_start3A_138 = arith.constant 0 : i32
      %dma_start3A_139 = arith.constant 0 : i32
      %dma_start3A_140 = arith.constant 0 : i32
      %dma_start3A_141 = tpu.memref_slice %arg8[%dma_start3A_139, %dma_start3A_140] : memref<256x144xf32, #tpu.memory_space<vmem>> -> memref<128x144xf32, #tpu.memory_space<vmem>>
      %dma_start3A_142 = arith.constant 0 : i32
      %dma_start3A_143 = tpu.memref_slice %arg7[%dma_start3A_138, %dma_start3A_142] : memref<2x256xi32, #tpu.memory_space<vmem>> -> memref<1x128xi32, #tpu.memory_space<vmem>>
      %dma_start3A_144 = tpu.memref_squeeze %dma_start3A_143 : memref<1x128xi32, #tpu.memory_space<vmem>> -> memref<128xi32, #tpu.memory_space<vmem>>
      %dma_start3A_145 = arith.constant 0 : i32
      %dma_start3A_146 = arith.constant 0 : i32
      %dma_start3A_147 = tpu.memref_slice %arg2[%dma_start3A_145, %dma_start3A_146] : memref<10000x144xf32, #tpu.memory_space<hbm>> -> memref<10000x144xf32, #tpu.memory_space<hbm>>
      tpu.enqueue_indirect_dma source(%dma_start3A_147 : memref<10000x144xf32, #tpu.memory_space<hbm>>) target(%dma_start3A_141 : memref<128x144xf32, #tpu.memory_space<vmem>>) offsets(%dma_start3A_144 : memref<128xi32, #tpu.memory_space<vmem>>) semaphore(%arg12 : memref<!tpu.dma_semaphore, #tpu.memory_space<semaphore_mem>>)
      %dma_start3A_148 = arith.constant 0 : i32
      %dma_start3A_149 = arith.constant 128 : i32
      %dma_start3A_150 = arith.constant 0 : i32
      %dma_start3A_151 = tpu.memref_slice %arg8[%dma_start3A_149, %dma_start3A_150] : memref<256x144xf32, #tpu.memory_space<vmem>> -> memref<128x144xf32, #tpu.memory_space<vmem>>
      %dma_start3A_152 = arith.constant 128 : i32
      %dma_start3A_153 = tpu.memref_slice %arg7[%dma_start3A_148, %dma_start3A_152] : memref<2x256xi32, #tpu.memory_space<vmem>> -> memref<1x128xi32, #tpu.memory_space<vmem>>
      %dma_start3A_154 = tpu.memref_squeeze %dma_start3A_153 : memref<1x128xi32, #tpu.memory_space<vmem>> -> memref<128xi32, #tpu.memory_space<vmem>>
      %dma_start3A_155 = arith.constant 0 : i32
      %dma_start3A_156 = arith.constant 0 : i32
      %dma_start3A_157 = tpu.memref_slice %arg2[%dma_start3A_155, %dma_start3A_156] : memref<10000x144xf32, #tpu.memory_space<hbm>> -> memref<10000x144xf32, #tpu.memory_space<hbm>>
      tpu.enqueue_indirect_dma source(%dma_start3A_157 : memref<10000x144xf32, #tpu.memory_space<hbm>>) target(%dma_start3A_151 : memref<128x144xf32, #tpu.memory_space<vmem>>) offsets(%dma_start3A_154 : memref<128xi32, #tpu.memory_space<vmem>>) semaphore(%arg13 : memref<!tpu.dma_semaphore, #tpu.memory_space<semaphore_mem>>)
      %dma_wait3A_158 = arith.constant 0 : i32
      %dma_wait3A_159 = arith.constant 0 : i32
      %dma_wait3A_160 = arith.constant 0 : i32
      %dma_wait3A_161 = tpu.memref_slice %arg8[%dma_wait3A_159, %dma_wait3A_160] : memref<256x144xf32, #tpu.memory_space<vmem>> -> memref<128x144xf32, #tpu.memory_space<vmem>>
      %dma_wait3A_162 = arith.constant 0 : i32
      %dma_wait3A_163 = tpu.memref_slice %arg7[%dma_wait3A_158, %dma_wait3A_162] : memref<2x256xi32, #tpu.memory_space<vmem>> -> memref<1x128xi32, #tpu.memory_space<vmem>>
      %dma_wait3A_164 = tpu.memref_squeeze %dma_wait3A_163 : memref<1x128xi32, #tpu.memory_space<vmem>> -> memref<128xi32, #tpu.memory_space<vmem>>
      %dma_wait3A_165 = arith.constant 0 : i32
      %dma_wait3A_166 = arith.constant 0 : i32
      %dma_wait3A_167 = tpu.memref_slice %arg2[%dma_wait3A_165, %dma_wait3A_166] : memref<10000x144xf32, #tpu.memory_space<hbm>> -> memref<10000x144xf32, #tpu.memory_space<hbm>>
      tpu.wait_indirect_dma semaphore(%arg12 : memref<!tpu.dma_semaphore, #tpu.memory_space<semaphore_mem>>) src(%dma_wait3A_167 : memref<10000x144xf32, #tpu.memory_space<hbm>>) dst(%dma_wait3A_161 : memref<128x144xf32, #tpu.memory_space<vmem>>)
      %dma_wait3A_168 = arith.constant 0 : i32
      %dma_wait3A_169 = arith.constant 128 : i32
      %dma_wait3A_170 = arith.constant 0 : i32
      %dma_wait3A_171 = tpu.memref_slice %arg8[%dma_wait3A_169, %dma_wait3A_170] : memref<256x144xf32, #tpu.memory_space<vmem>> -> memref<128x144xf32, #tpu.memory_space<vmem>>
      %dma_wait3A_172 = arith.constant 128 : i32
      %dma_wait3A_173 = tpu.memref_slice %arg7[%dma_wait3A_168, %dma_wait3A_172] : memref<2x256xi32, #tpu.memory_space<vmem>> -> memref<1x128xi32, #tpu.memory_space<vmem>>
      %dma_wait3A_174 = tpu.memref_squeeze %dma_wait3A_173 : memref<1x128xi32, #tpu.memory_space<vmem>> -> memref<128xi32, #tpu.memory_space<vmem>>
      %dma_wait3A_175 = arith.constant 0 : i32
      %dma_wait3A_176 = arith.constant 0 : i32
      %dma_wait3A_177 = tpu.memref_slice %arg2[%dma_wait3A_175, %dma_wait3A_176] : memref<10000x144xf32, #tpu.memory_space<hbm>> -> memref<10000x144xf32, #tpu.memory_space<hbm>>
      tpu.wait_indirect_dma semaphore(%arg13 : memref<!tpu.dma_semaphore, #tpu.memory_space<semaphore_mem>>) src(%dma_wait3A_177 : memref<10000x144xf32, #tpu.memory_space<hbm>>) dst(%dma_wait3A_171 : memref<128x144xf32, #tpu.memory_space<vmem>>)
      %mul3A_178 = arith.constant 32 : i32
      %mul3A_179 = arith.muli %add3A_93, %mul3A_178 : i32
      %add3A_180 = arith.addi %add3A, %mul3A_179 : i32
      %lt3A_181 = arith.constant 1250 : i32
      %lt3A_182 = arith.cmpi slt, %add3A_180, %lt3A_181 : i32
      %convert_element_type3A_183 = arith.extui %lt3A_182 : i1 to i32
      %cond3A_184 = arith.constant 0 : i32
      %cond3A_185 = arith.cmpi ne, %convert_element_type3A_183, %cond3A_184 : i32
      scf.if %cond3A_185 {
        %dma_start3A_225 = arith.constant 1 : i32
        %dma_start3A_226 = arith.constant 0 : i32
        %dma_start3A_227 = arith.constant 0 : i32
        %dma_start3A_228 = tpu.memref_slice %arg8[%dma_start3A_226, %dma_start3A_227] : memref<256x144xf32, #tpu.memory_space<vmem>> -> memref<128x144xf32, #tpu.memory_space<vmem>>
        %dma_start3A_229 = arith.constant 0 : i32
        %dma_start3A_230 = tpu.memref_slice %arg7[%dma_start3A_225, %dma_start3A_229] : memref<2x256xi32, #tpu.memory_space<vmem>> -> memref<1x128xi32, #tpu.memory_space<vmem>>
        %dma_start3A_231 = tpu.memref_squeeze %dma_start3A_230 : memref<1x128xi32, #tpu.memory_space<vmem>> -> memref<128xi32, #tpu.memory_space<vmem>>
        %dma_start3A_232 = arith.constant 0 : i32
        %dma_start3A_233 = arith.constant 0 : i32
        %dma_start3A_234 = tpu.memref_slice %arg9[%dma_start3A_232, %dma_start3A_233] : memref<10240x144xf32, #tpu.memory_space<vmem_shared>> -> memref<10240x144xf32, #tpu.memory_space<vmem_shared>>
        tpu.enqueue_indirect_dma source(%dma_start3A_228 : memref<128x144xf32, #tpu.memory_space<vmem>>) target(%dma_start3A_234 : memref<10240x144xf32, #tpu.memory_space<vmem_shared>>) offsets(%dma_start3A_231 : memref<128xi32, #tpu.memory_space<vmem>>) semaphore(%arg14 : memref<!tpu.dma_semaphore, #tpu.memory_space<semaphore_mem>>) {add = true}
        %dma_start3A_235 = arith.constant 1 : i32
        %dma_start3A_236 = arith.constant 128 : i32
        %dma_start3A_237 = arith.constant 0 : i32
        %dma_start3A_238 = tpu.memref_slice %arg8[%dma_start3A_236, %dma_start3A_237] : memref<256x144xf32, #tpu.memory_space<vmem>> -> memref<128x144xf32, #tpu.memory_space<vmem>>
        %dma_start3A_239 = arith.constant 128 : i32
        %dma_start3A_240 = tpu.memref_slice %arg7[%dma_start3A_235, %dma_start3A_239] : memref<2x256xi32, #tpu.memory_space<vmem>> -> memref<1x128xi32, #tpu.memory_space<vmem>>
        %dma_start3A_241 = tpu.memref_squeeze %dma_start3A_240 : memref<1x128xi32, #tpu.memory_space<vmem>> -> memref<128xi32, #tpu.memory_space<vmem>>
        %dma_start3A_242 = arith.constant 0 : i32
        %dma_start3A_243 = arith.constant 0 : i32
        %dma_start3A_244 = tpu.memref_slice %arg9[%dma_start3A_242, %dma_start3A_243] : memref<10240x144xf32, #tpu.memory_space<vmem_shared>> -> memref<10240x144xf32, #tpu.memory_space<vmem_shared>>
        tpu.enqueue_indirect_dma source(%dma_start3A_238 : memref<128x144xf32, #tpu.memory_space<vmem>>) target(%dma_start3A_244 : memref<10240x144xf32, #tpu.memory_space<vmem_shared>>) offsets(%dma_start3A_241 : memref<128xi32, #tpu.memory_space<vmem>>) semaphore(%arg15 : memref<!tpu.dma_semaphore, #tpu.memory_space<semaphore_mem>>) {add = true}
        %dma_wait3A_245 = arith.constant 1 : i32
        %dma_wait3A_246 = arith.constant 0 : i32
        %dma_wait3A_247 = arith.constant 0 : i32
        %dma_wait3A_248 = tpu.memref_slice %arg8[%dma_wait3A_246, %dma_wait3A_247] : memref<256x144xf32, #tpu.memory_space<vmem>> -> memref<128x144xf32, #tpu.memory_space<vmem>>
        %dma_wait3A_249 = arith.constant 0 : i32
        %dma_wait3A_250 = tpu.memref_slice %arg7[%dma_wait3A_245, %dma_wait3A_249] : memref<2x256xi32, #tpu.memory_space<vmem>> -> memref<1x128xi32, #tpu.memory_space<vmem>>
        %dma_wait3A_251 = tpu.memref_squeeze %dma_wait3A_250 : memref<1x128xi32, #tpu.memory_space<vmem>> -> memref<128xi32, #tpu.memory_space<vmem>>
        %dma_wait3A_252 = arith.constant 0 : i32
        %dma_wait3A_253 = arith.constant 0 : i32
        %dma_wait3A_254 = tpu.memref_slice %arg9[%dma_wait3A_252, %dma_wait3A_253] : memref<10240x144xf32, #tpu.memory_space<vmem_shared>> -> memref<10240x144xf32, #tpu.memory_space<vmem_shared>>
        tpu.wait_indirect_dma semaphore(%arg14 : memref<!tpu.dma_semaphore, #tpu.memory_space<semaphore_mem>>) src(%dma_wait3A_248 : memref<128x144xf32, #tpu.memory_space<vmem>>) dst(%dma_wait3A_254 : memref<10240x144xf32, #tpu.memory_space<vmem_shared>>)
        %dma_wait3A_255 = arith.constant 1 : i32
        %dma_wait3A_256 = arith.constant 128 : i32
        %dma_wait3A_257 = arith.constant 0 : i32
        %dma_wait3A_258 = tpu.memref_slice %arg8[%dma_wait3A_256, %dma_wait3A_257] : memref<256x144xf32, #tpu.memory_space<vmem>> -> memref<128x144xf32, #tpu.memory_space<vmem>>
        %dma_wait3A_259 = arith.constant 128 : i32
        %dma_wait3A_260 = tpu.memref_slice %arg7[%dma_wait3A_255, %dma_wait3A_259] : memref<2x256xi32, #tpu.memory_space<vmem>> -> memref<1x128xi32, #tpu.memory_space<vmem>>
        %dma_wait3A_261 = tpu.memref_squeeze %dma_wait3A_260 : memref<1x128xi32, #tpu.memory_space<vmem>> -> memref<128xi32, #tpu.memory_space<vmem>>
        %dma_wait3A_262 = arith.constant 0 : i32
        %dma_wait3A_263 = arith.constant 0 : i32
        %dma_wait3A_264 = tpu.memref_slice %arg9[%dma_wait3A_262, %dma_wait3A_263] : memref<10240x144xf32, #tpu.memory_space<vmem_shared>> -> memref<10240x144xf32, #tpu.memory_space<vmem_shared>>
        tpu.wait_indirect_dma semaphore(%arg15 : memref<!tpu.dma_semaphore, #tpu.memory_space<semaphore_mem>>) src(%dma_wait3A_258 : memref<128x144xf32, #tpu.memory_space<vmem>>) dst(%dma_wait3A_264 : memref<10240x144xf32, #tpu.memory_space<vmem_shared>>)
      } else {
      }
      %add3A_186 = arith.constant 2 : i32
      %add3A_187 = arith.addi %add3A_93, %add3A_186 : i32
      %mul3A_188 = arith.constant 32 : i32
      %mul3A_189 = arith.muli %add3A_187, %mul3A_188 : i32
      %add3A_190 = arith.addi %add3A, %mul3A_189 : i32
      %min3A_191 = arith.constant 1249 : i32
      %min3A_192 = arith.minsi %add3A_190, %min3A_191 : i32
      %mul3A_193 = arith.constant 256 : i32
      %mul3A_194 = arith.muli %min3A_192, %mul3A_193 : i32
      %dma_start3A_195 = arith.constant 0 : i32
      %dma_start3A_196 = tpu.memref_slice %arg3[%dma_start3A_195, %mul3A_194] : memref<2x320000xi32, #tpu.memory_space<hbm>> -> memref<2x256xi32, #tpu.memory_space<hbm>>
      %dma_start3A_197 = arith.constant 0 : i32
      %dma_start3A_198 = tpu.memref_slice %arg3[%dma_start3A_197, %mul3A_194] : memref<2x320000xi32, #tpu.memory_space<hbm>> -> memref<2x256xi32, #tpu.memory_space<hbm>>
      tpu.enqueue_dma source(%dma_start3A_198 : memref<2x256xi32, #tpu.memory_space<hbm>>) target(%arg7 : memref<2x256xi32, #tpu.memory_space<vmem>>) target_semaphore(%arg11 : memref<!tpu.dma_semaphore, #tpu.memory_space<semaphore_mem>>)
      %dma_wait3A_199 = arith.constant 0 : i32
      %dma_wait3A_200 = arith.constant 0 : i32
      %dma_wait3A_201 = tpu.memref_slice %arg3[%dma_wait3A_199, %dma_wait3A_200] : memref<2x320000xi32, #tpu.memory_space<hbm>> -> memref<2x256xi32, #tpu.memory_space<hbm>>
      %dma_wait3A_202 = arith.constant 0 : i32
      %dma_wait3A_203 = arith.constant 0 : i32
      %dma_wait3A_204 = tpu.memref_slice %arg3[%dma_wait3A_202, %dma_wait3A_203] : memref<2x320000xi32, #tpu.memory_space<hbm>> -> memref<2x256xi32, #tpu.memory_space<hbm>>
      tpu.wait_dma2 semaphore(%arg10 : memref<!tpu.dma_semaphore, #tpu.memory_space<semaphore_mem>>) src(%dma_wait3A_204 : memref<2x256xi32, #tpu.memory_space<hbm>>) dst(%arg6 : memref<2x256xi32, #tpu.memory_space<vmem>>)
      %dma_start3A_205 = arith.constant 0 : i32
      %dma_start3A_206 = arith.constant 0 : i32
      %dma_start3A_207 = arith.constant 0 : i32
      %dma_start3A_208 = tpu.memref_slice %arg8[%dma_start3A_206, %dma_start3A_207] : memref<256x144xf32, #tpu.memory_space<vmem>> -> memref<128x144xf32, #tpu.memory_space<vmem>>
      %dma_start3A_209 = arith.constant 0 : i32
      %dma_start3A_210 = tpu.memref_slice %arg6[%dma_start3A_205, %dma_start3A_209] : memref<2x256xi32, #tpu.memory_space<vmem>> -> memref<1x128xi32, #tpu.memory_space<vmem>>
      %dma_start3A_211 = tpu.memref_squeeze %dma_start3A_210 : memref<1x128xi32, #tpu.memory_space<vmem>> -> memref<128xi32, #tpu.memory_space<vmem>>
      %dma_start3A_212 = arith.constant 0 : i32
      %dma_start3A_213 = arith.constant 0 : i32
      %dma_start3A_214 = tpu.memref_slice %arg2[%dma_start3A_212, %dma_start3A_213] : memref<10000x144xf32, #tpu.memory_space<hbm>> -> memref<10000x144xf32, #tpu.memory_space<hbm>>
      tpu.enqueue_indirect_dma source(%dma_start3A_214 : memref<10000x144xf32, #tpu.memory_space<hbm>>) target(%dma_start3A_208 : memref<128x144xf32, #tpu.memory_space<vmem>>) offsets(%dma_start3A_211 : memref<128xi32, #tpu.memory_space<vmem>>) semaphore(%arg12 : memref<!tpu.dma_semaphore, #tpu.memory_space<semaphore_mem>>)
      %dma_start3A_215 = arith.constant 0 : i32
      %dma_start3A_216 = arith.constant 128 : i32
      %dma_start3A_217 = arith.constant 0 : i32
      %dma_start3A_218 = tpu.memref_slice %arg8[%dma_start3A_216, %dma_start3A_217] : memref<256x144xf32, #tpu.memory_space<vmem>> -> memref<128x144xf32, #tpu.memory_space<vmem>>
      %dma_start3A_219 = arith.constant 128 : i32
      %dma_start3A_220 = tpu.memref_slice %arg6[%dma_start3A_215, %dma_start3A_219] : memref<2x256xi32, #tpu.memory_space<vmem>> -> memref<1x128xi32, #tpu.memory_space<vmem>>
      %dma_start3A_221 = tpu.memref_squeeze %dma_start3A_220 : memref<1x128xi32, #tpu.memory_space<vmem>> -> memref<128xi32, #tpu.memory_space<vmem>>
      %dma_start3A_222 = arith.constant 0 : i32
      %dma_start3A_223 = arith.constant 0 : i32
      %dma_start3A_224 = tpu.memref_slice %arg2[%dma_start3A_222, %dma_start3A_223] : memref<10000x144xf32, #tpu.memory_space<hbm>> -> memref<10000x144xf32, #tpu.memory_space<hbm>>
      tpu.enqueue_indirect_dma source(%dma_start3A_224 : memref<10000x144xf32, #tpu.memory_space<hbm>>) target(%dma_start3A_218 : memref<128x144xf32, #tpu.memory_space<vmem>>) offsets(%dma_start3A_221 : memref<128xi32, #tpu.memory_space<vmem>>) semaphore(%arg13 : memref<!tpu.dma_semaphore, #tpu.memory_space<semaphore_mem>>)
    }
    %scan3A_54 = arith.constant 20 : i32
    %dma_wait3A_55 = arith.constant 0 : i32
    %dma_wait3A_56 = arith.constant 0 : i32
    %dma_wait3A_57 = tpu.memref_slice %arg3[%dma_wait3A_55, %dma_wait3A_56] : memref<2x320000xi32, #tpu.memory_space<hbm>> -> memref<2x256xi32, #tpu.memory_space<hbm>>
    %dma_wait3A_58 = arith.constant 0 : i32
    %dma_wait3A_59 = arith.constant 0 : i32
    %dma_wait3A_60 = tpu.memref_slice %arg3[%dma_wait3A_58, %dma_wait3A_59] : memref<2x320000xi32, #tpu.memory_space<hbm>> -> memref<2x256xi32, #tpu.memory_space<hbm>>
    tpu.wait_dma2 semaphore(%arg11 : memref<!tpu.dma_semaphore, #tpu.memory_space<semaphore_mem>>) src(%dma_wait3A_60 : memref<2x256xi32, #tpu.memory_space<hbm>>) dst(%arg7 : memref<2x256xi32, #tpu.memory_space<vmem>>)
    %dma_wait3A_61 = arith.constant 0 : i32
    %dma_wait3A_62 = arith.constant 0 : i32
    %dma_wait3A_63 = arith.constant 0 : i32
    %dma_wait3A_64 = tpu.memref_slice %arg8[%dma_wait3A_62, %dma_wait3A_63] : memref<256x144xf32, #tpu.memory_space<vmem>> -> memref<128x144xf32, #tpu.memory_space<vmem>>
    %dma_wait3A_65 = arith.constant 0 : i32
    %dma_wait3A_66 = tpu.memref_slice %arg6[%dma_wait3A_61, %dma_wait3A_65] : memref<2x256xi32, #tpu.memory_space<vmem>> -> memref<1x128xi32, #tpu.memory_space<vmem>>
    %dma_wait3A_67 = tpu.memref_squeeze %dma_wait3A_66 : memref<1x128xi32, #tpu.memory_space<vmem>> -> memref<128xi32, #tpu.memory_space<vmem>>
    %dma_wait3A_68 = arith.constant 0 : i32
    %dma_wait3A_69 = arith.constant 0 : i32
    %dma_wait3A_70 = tpu.memref_slice %arg2[%dma_wait3A_68, %dma_wait3A_69] : memref<10000x144xf32, #tpu.memory_space<hbm>> -> memref<10000x144xf32, #tpu.memory_space<hbm>>
    tpu.wait_indirect_dma semaphore(%arg12 : memref<!tpu.dma_semaphore, #tpu.memory_space<semaphore_mem>>) src(%dma_wait3A_70 : memref<10000x144xf32, #tpu.memory_space<hbm>>) dst(%dma_wait3A_64 : memref<128x144xf32, #tpu.memory_space<vmem>>)
    %dma_wait3A_71 = arith.constant 0 : i32
    %dma_wait3A_72 = arith.constant 128 : i32
    %dma_wait3A_73 = arith.constant 0 : i32
    %dma_wait3A_74 = tpu.memref_slice %arg8[%dma_wait3A_72, %dma_wait3A_73] : memref<256x144xf32, #tpu.memory_space<vmem>> -> memref<128x144xf32, #tpu.memory_space<vmem>>
    %dma_wait3A_75 = arith.constant 128 : i32
    %dma_wait3A_76 = tpu.memref_slice %arg6[%dma_wait3A_71, %dma_wait3A_75] : memref<2x256xi32, #tpu.memory_space<vmem>> -> memref<1x128xi32, #tpu.memory_space<vmem>>
    %dma_wait3A_77 = tpu.memref_squeeze %dma_wait3A_76 : memref<1x128xi32, #tpu.memory_space<vmem>> -> memref<128xi32, #tpu.memory_space<vmem>>
    %dma_wait3A_78 = arith.constant 0 : i32
    %dma_wait3A_79 = arith.constant 0 : i32
    %dma_wait3A_80 = tpu.memref_slice %arg2[%dma_wait3A_78, %dma_wait3A_79] : memref<10000x144xf32, #tpu.memory_space<hbm>> -> memref<10000x144xf32, #tpu.memory_space<hbm>>
    tpu.wait_indirect_dma semaphore(%arg13 : memref<!tpu.dma_semaphore, #tpu.memory_space<semaphore_mem>>) src(%dma_wait3A_80 : memref<10000x144xf32, #tpu.memory_space<hbm>>) dst(%dma_wait3A_74 : memref<128x144xf32, #tpu.memory_space<vmem>>)
    %barrier3A_81 = arith.constant 0 : index
    tpu.barrier barrier_id(%barrier3A_81)
    %mul3A_82 = arith.constant 625 : i32
    %mul3A_83 = arith.muli %arg1, %mul3A_82 : i32
    %mul3A_84 = arith.constant 10000 : i32
    %mul3A_85 = arith.muli %arg0, %mul3A_84 : i32
    %mul3A_86 = arith.constant 625 : i32
    %mul3A_87 = arith.muli %arg1, %mul3A_86 : i32
    %add3A_88 = arith.addi %mul3A_85, %mul3A_87 : i32
    "tpu.region"() ({
      %run_scoped3A = tpu.sem_alloc : memref<!tpu.dma_semaphore, #tpu.memory_space<semaphore_mem>>
      %dma_start3A_89 = arith.constant 0 : i32
      %dma_start3A_90 = tpu.memref_slice %arg5[%add3A_88, %dma_start3A_89] : memref<20000x144xf32, #tpu.memory_space<hbm>> -> memref<625x144xf32, #tpu.memory_space<hbm>>
      %dma_start3A_91 = arith.constant 0 : i32
      %dma_start3A_92 = tpu.memref_slice %arg9[%mul3A_83, %dma_start3A_91] : memref<10240x144xf32, #tpu.memory_space<vmem_shared>> -> memref<625x144xf32, #tpu.memory_space<vmem_shared>>
      tpu.enqueue_dma source(%dma_start3A_92 : memref<625x144xf32, #tpu.memory_space<vmem_shared>>) target(%dma_start3A_90 : memref<625x144xf32, #tpu.memory_space<hbm>>) target_semaphore(%run_scoped3A : memref<!tpu.dma_semaphore, #tpu.memory_space<semaphore_mem>>)
      %dma_wait3A_93 = arith.constant 0 : i32
      %dma_wait3A_94 = tpu.memref_slice %arg5[%add3A_88, %dma_wait3A_93] : memref<20000x144xf32, #tpu.memory_space<hbm>> -> memref<625x144xf32, #tpu.memory_space<hbm>>
      %dma_wait3A_95 = arith.constant 0 : i32
      %dma_wait3A_96 = tpu.memref_slice %arg9[%mul3A_83, %dma_wait3A_95] : memref<10240x144xf32, #tpu.memory_space<vmem_shared>> -> memref<625x144xf32, #tpu.memory_space<vmem_shared>>
      tpu.wait_dma2 semaphore(%run_scoped3A : memref<!tpu.dma_semaphore, #tpu.memory_space<semaphore_mem>>) src(%dma_wait3A_96 : memref<625x144xf32, #tpu.memory_space<vmem_shared>>) dst(%dma_wait3A_94 : memref<625x144xf32, #tpu.memory_space<hbm>>)
      tpu.yield
    }) : () -> ()
    return
  }
}

module attributes {stable_mosaic.version = 14 : i64} {
  func.func @_tc_body(%arg0: i32, %arg1: memref<2x2000x144xf32, #tpu.memory_space<vmem>>, %arg2: memref<2000x128xf32, #tpu.memory_space<vmem>>, %arg3: memref<128x128xf32, #tpu.memory_space<vmem>>, %arg4: memref<128x128xf32, #tpu.memory_space<vmem>>, %arg5: memref<1x128xf32, #tpu.memory_space<vmem>>, %arg6: memref<2000x128xf32, #tpu.memory_space<vmem>>) attributes {dimension_semantics = [#tpu.dimension_semantics<arbitrary>], iteration_bounds = array<i64: 5>, scalar_prefetch = 0 : i64, scratch_operands = 0 : i64, tpu.core_type = #tpu.core_type<tc>, window_params = [{transform_indices = @transform_0, window_bounds = array<i64: 2, 2000, 144>}, {transform_indices = @transform_1, window_bounds = array<i64: 2000, 128>}, {pipeline_mode = #tpu.pipeline_mode<synchronous>, transform_indices = @transform_2, window_bounds = array<i64: 128, 128>}, {pipeline_mode = #tpu.pipeline_mode<synchronous>, transform_indices = @transform_3, window_bounds = array<i64: 128, 128>}, {pipeline_mode = #tpu.pipeline_mode<synchronous>, transform_indices = @transform_4, window_bounds = array<i64: 1, 128>}, {transform_indices = @transform_5, window_bounds = array<i64: 2000, 128>}]} {
    %get3A = arith.constant 0 : index
    %get3A_0 = arith.constant 0 : index
    %get3A_1 = arith.constant 0 : index
    %get3A_2 = vector.load %arg1[%get3A, %get3A_0, %get3A_1] : memref<2x2000x144xf32, #tpu.memory_space<vmem>>, vector<1x2000x144xf32>
    %get3A_3 = vector.shape_cast %get3A_2 : vector<1x2000x144xf32> to vector<2000x144xf32>
    %get3A_4 = arith.constant 1 : index
    %get3A_5 = arith.constant 0 : index
    %get3A_6 = arith.constant 0 : index
    %get3A_7 = vector.load %arg1[%get3A_4, %get3A_5, %get3A_6] : memref<2x2000x144xf32, #tpu.memory_space<vmem>>, vector<1x2000x144xf32>
    %get3A_8 = vector.shape_cast %get3A_7 : vector<1x2000x144xf32> to vector<2000x144xf32>
    %add3A = arith.addf %get3A_3, %get3A_8 : vector<2000x144xf32>
    %slice3A = vector.extract_strided_slice %add3A {offsets = [0, 128], sizes = [2000, 1], strides = [1, 1]} : vector<2000x144xf32> to vector<2000x1xf32>
    %slice3A_9 = vector.extract_strided_slice %add3A {offsets = [0, 0], sizes = [2000, 128], strides = [1, 1]} : vector<2000x144xf32> to vector<2000x128xf32>
    %max3A = arith.constant 1.000000e+00 : f32
    %max3A_10 = vector.broadcast %max3A : f32 to vector<2000x1xf32>
    %max3A_11 = arith.maximumf %slice3A, %max3A_10 : vector<2000x1xf32>
    %div3A = vector.broadcast %max3A_11 : vector<2000x1xf32> to vector<2000x128xf32>
    %div3A_12 = arith.divf %slice3A_9, %div3A : vector<2000x128xf32>
    %get3A_13 = arith.constant 0 : index
    %get3A_14 = arith.constant 0 : index
    %get3A_15 = vector.load %arg3[%get3A_13, %get3A_14] : memref<128x128xf32, #tpu.memory_space<vmem>>, vector<128x128xf32>
    %dot_general3A = arith.constant dense<0.000000e+00> : vector<2000x128xf32>
    %dot_general3A_16 = tpu.matmul %div3A_12, %get3A_15, %dot_general3A {dimension_numbers = #tpu.dot_dimension_numbers<[1], [1], [0], [0], [0, 0, 1, 0], [], []>, transpose_lhs_hint = false} : vector<2000x128xf32>, vector<128x128xf32>, vector<2000x128xf32> -> vector<2000x128xf32>
    %get3A_17 = arith.constant 0 : index
    %get3A_18 = arith.constant 0 : index
    %get3A_19 = vector.load %arg2[%get3A_17, %get3A_18] : memref<2000x128xf32, #tpu.memory_space<vmem>>, vector<2000x128xf32>
    %get3A_20 = arith.constant 0 : index
    %get3A_21 = arith.constant 0 : index
    %get3A_22 = vector.load %arg4[%get3A_20, %get3A_21] : memref<128x128xf32, #tpu.memory_space<vmem>>, vector<128x128xf32>
    %dot_general3A_23 = arith.constant dense<0.000000e+00> : vector<2000x128xf32>
    %dot_general3A_24 = tpu.matmul %get3A_19, %get3A_22, %dot_general3A_23 {dimension_numbers = #tpu.dot_dimension_numbers<[1], [1], [0], [0], [0, 0, 1, 0], [], []>, transpose_lhs_hint = false} : vector<2000x128xf32>, vector<128x128xf32>, vector<2000x128xf32> -> vector<2000x128xf32>
    %add3A_25 = arith.addf %dot_general3A_16, %dot_general3A_24 : vector<2000x128xf32>
    %get3A_26 = arith.constant 0 : index
    %get3A_27 = arith.constant 0 : index
    %get3A_28 = vector.load %arg5[%get3A_26, %get3A_27] : memref<1x128xf32, #tpu.memory_space<vmem>>, vector<1x128xf32>
    %add3A_29 = vector.broadcast %get3A_28 : vector<1x128xf32> to vector<2000x128xf32>
    %add3A_30 = arith.addf %add3A_25, %add3A_29 : vector<2000x128xf32>
    %swap3A = arith.constant 0 : index
    %swap3A_31 = arith.constant 0 : index
    %swap3A_32 = vector.load %arg6[%swap3A, %swap3A_31] : memref<2000x128xf32, #tpu.memory_space<vmem>>, vector<2000x128xf32>
    tpu.vector_store %arg6[%swap3A, %swap3A_31], %add3A_30 {strides = array<i32>} : memref<2000x128xf32, #tpu.memory_space<vmem>>, vector<2000x128xf32>,
    return
  }
  func.func @transform_0(%arg0: i32) -> (i32, i32, i32) {
    %c0_i32 = arith.constant 0 : i32
    %c0_i32_0 = arith.constant 0 : i32
    %c0_i32_1 = arith.constant 0 : i32
    return %c0_i32, %arg0, %c0_i32_0 : i32, i32, i32
  }
  func.func @transform_1(%arg0: i32) -> (i32, i32) {
    %c0_i32 = arith.constant 0 : i32
    %c0_i32_0 = arith.constant 0 : i32
    return %arg0, %c0_i32 : i32, i32
  }
  func.func @transform_2(%arg0: i32) -> (i32, i32) {
    %c0_i32 = arith.constant 0 : i32
    %c0_i32_0 = arith.constant 0 : i32
    %c0_i32_1 = arith.constant 0 : i32
    return %c0_i32, %c0_i32_0 : i32, i32
  }
  func.func @transform_3(%arg0: i32) -> (i32, i32) {
    %c0_i32 = arith.constant 0 : i32
    %c0_i32_0 = arith.constant 0 : i32
    %c0_i32_1 = arith.constant 0 : i32
    return %c0_i32, %c0_i32_0 : i32, i32
  }
  func.func @transform_4(%arg0: i32) -> (i32, i32) {
    %c0_i32 = arith.constant 0 : i32
    %c0_i32_0 = arith.constant 0 : i32
    %c0_i32_1 = arith.constant 0 : i32
    return %c0_i32, %c0_i32_0 : i32, i32
  }
  func.func @transform_5(%arg0: i32) -> (i32, i32) {
    %c0_i32 = arith.constant 0 : i32
    %c0_i32_0 = arith.constant 0 : i32
    return %arg0, %c0_i32 : i32, i32
  }
}

</mosaic_0001>

<sc_bundles>
// kernel: kernel.4.cloned.1.call-start
scs
__scs_entry_jumppad:
0x0: {  	(pc) =	sbr.rel $0x88, $3  }
0x1: {  	(tag) =	ssettag $0x0;
	lr =	simm.s32 $0x1  }
0x2: {  	[smem:$0x3F9C] =	sst lr;
	_ =	strace $0xD0000000  }
0x3: {  	_ = 	snop  }
0x4: {  	_ = 	snop  }
0x5: {  	_ = 	snop  }
0x6: {  	_ = 	snop  }
0x7: {  	_ = 	snop  }
__scs_overlays_trampoline_lowered:
0x8: {  	[smem:$0x3FAB] =	sst s0  }
0x9: {  	[smem:$0x3FAC] =	sst s1  }
0xa: {  	[smem:$0x3FAD] =	sst s2  }
0xb: {  	[smem:$0x3FAE] =	sst s3  }
0xc: {  	[smem:$0x3FAF] =	sst s4  }
0xd: {  	[smem:$0x3FB0] =	sst s5  }
0xe: {  	[smem:$0x3FB1] =	sst s6  }
0xf: {  	[smem:$0x3FB2] =	sst s7  }
0x10: {  	[smem:$0x3FB3] =	sst s8  }
0x11: {  	[smem:$0x3FB4] =	sst s9;
	s0 =	simm.s32 @!p0 $0x0  }
0x12: {  	s1 =	sld [smem:$0x3F9A];
	s0 =	simm.s32 @p0 $0x1  }
0x13: {  	[smem:$0x3FB5] =	sst s0;
	s0 =	simm.s32 @!p1 $0x0  }
0x14: {  	s2 =	sld [smem:$0x3F99];
	s0 =	simm.s32 @p1 $0x1  }
0x15: {  	[smem:$0x3FB6] =	sst s0;
	s0 =	simm.s32 @!p2 $0x0  }
0x16: {  	s3 =	sld [smem:$0x3FDB];
	s0 =	simm.s32 @p2 $0x1  }
0x17: {  	s4 =	simm.s32 $0x1BF5;
	[smem:$0x3FB8] =	sst s0  }
0x18: {  	s0 =	sld [smem:$0x3F9B];
	_ =	swait.ge [sflag:s4], $0x0  }
0x19: {  	s7 =	sld [smem:$0x3F9C]  }
0x1a: {  	s8 =	sadd.s32 $0xFFFFE003, lr  }
0x1b: {  	s9 =	sadd.s32 $0xFFFFFEF7, lr;
	s5 =	simm.s32 $0xFFFFFFFF;
	p2 =	slt.u32 s8, $0xFFFFF086  }
0x1c: {  	p1 =	slt.u32 s9, $0xF7A;
	s5 =	simm.s32 @!p2 $0x0  }
0x1d: {  	s5 =	simm.s32 @p1 $0x1;
	p0 =	seq.s32 s7, s2  }
0x1e: {  	s7 =	smul.u32 @!p0 $0xF7A, s2;
	p2 =	seq.s32 @!p0 s5, $0x0  }
0x1f: {  	s9 =	smul.u32 $0xF7A, s1;
	s8 =	simm.s32 @!p0 $0x1BF5;
	p2 =	por !p2, p0  }
0x20: {  	[sflag:s8] =	ssyncset.s32 @!p0 $0xFFFFF086;
	s6 =	sadd.s32 @!p0 s3, s7;
	s7 =	simm.s32 @!p0 $0x108  }
0x21: {  	s3 =	sadd.s32 s3, s9;
	s6 =	sadd.s32 @!p0 $0x88, s6;
	s7 =	simm.s32 @p2 $0x1082  }
0x22: {  	[simem:s7], [sflag:s8] =	dma.local @!p0 [hbm:s6], $0xF7A  }
0x23: {  	s9 =	sor.u32 $0xD0000000, s2;
	s6 =	simm.s32 $0x108;
	_ =	swait.ge @!p0 [sflag:s8], $0x0  }
0x24: {  	s3 =	sadd.s32 $0x88, s3;
	s6 =	simm.s32 @!p1 $0x1082;
	[sflag:s4] =	ssyncset.s32 $0xFFFFF086  }
0x25: {  	[simem:s6], [sflag:s4] =	dma.local [hbm:s3], $0xF7A  }
0x26: {  	[smem:$0x3F9C] =	sst s1;
	(tag) =	ssettag s2;
	_ =	strace s9  }
0x27: {  	s1 =	sld [smem:$0x3FAC]  }
0x28: {  	s2 =	sld [smem:$0x3FAD]  }
0x29: {  	s4 =	sld [smem:$0x3FAF]  }
0x2a: {  	p0 =	seq.s32 s5, $0x0;
	s5 =	sld [smem:$0x3FB0]  }
0x2b: {  	s6 =	sld [smem:$0x3FB1]  }
0x2c: {  	s7 =	sld [smem:$0x3FB2]  }
0x2d: {  	s3 =	simm.s32 $0x108;
	s8 =	sld [smem:$0x3FB3]  }
0x2e: {  	s3 =	simm.s32 @!p0 $0x1082;
	s9 =	sld [smem:$0x3FB4]  }
0x2f: {  	lr =	sadd.s32 s0, s3;
	s0 =	sld [smem:$0x3FAB]  }
0x30: {  	s3 =	sld [smem:$0x3FAE]  }
0x31: {  	[smem:$0x3FB7] =	sst s10  }
0x32: {  	s10 =	sld [smem:$0x3FB5];
	_ =	sdelay $0x3  }
0x33: {  	p0 =	seq.s32 s10, $0x1;
	s10 =	sld [smem:$0x3FB7];
	_ =	sdelay $0x3  }
0x34: {  	[smem:$0x3FB7] =	sst s10  }
0x35: {  	s10 =	sld [smem:$0x3FB6];
	_ =	sdelay $0x3  }
0x36: {  	p1 =	seq.s32 s10, $0x1;
	s10 =	sld [smem:$0x3FB7];
	_ =	sdelay $0x3  }
0x37: {  	[smem:$0x3FB7] =	sst s10  }
0x38: {  	s10 =	sld [smem:$0x3FB8]  }
0x39: {  	_ = 	snop;
	(pc) =	sbr.ind lr, $3  }
0x3a: {  	_ = 	snop  }
0x3b: {  	_ = 	snop  }
0x3c: {  	p2 =	seq.s32 s10, $0x1;
	s10 =	sld [smem:$0x3FB7]  }
0x3d: {  	_ =	shalt  }
0x3e: {  	_ =	shalt  }
0x3f: {  	_ =	shalt  }
0x40: {  	_ =	shalt  }
0x41: {  	_ =	shalt  }
0x42: {  	_ =	shalt  }
0x43: {  	_ =	shalt  }
0x44: {  	_ =	shalt  }
0x45: {  	_ =	shalt  }
0x46: {  	_ =	shalt  }
0x47: {  	_ =	shalt  }
0x48: {  	_ =	shalt  }
0x49: {  	_ =	shalt  }
0x4a: {  	_ =	shalt  }
0x4b: {  	_ =	shalt  }
0x4c: {  	_ =	shalt  }
0x4d: {  	_ =	shalt  }
0x4e: {  	_ =	shalt  }
0x4f: {  	_ =	shalt  }
0x50: {  	_ =	shalt  }
0x51: {  	_ =	shalt  }
0x52: {  	_ =	shalt  }
0x53: {  	_ =	shalt  }
0x54: {  	_ =	shalt  }
0x55: {  	_ =	shalt  }
0x56: {  	_ =	shalt  }
0x57: {  	_ =	shalt  }
0x58: {  	_ =	shalt  }
0x59: {  	_ =	shalt  }
0x5a: {  	_ =	shalt  }
0x5b: {  	_ =	shalt  }
0x5c: {  	_ =	shalt  }
0x5d: {  	_ =	shalt  }
0x5e: {  	_ =	shalt  }
0x5f: {  	_ =	shalt  }
0x60: {  	_ =	shalt  }
0x61: {  	_ =	shalt  }
0x62: {  	_ =	shalt  }
0x63: {  	_ =	shalt  }
0x64: {  	_ =	shalt  }
0x65: {  	_ =	shalt  }
0x66: {  	_ =	shalt  }
0x67: {  	_ =	shalt  }
0x68: {  	_ =	shalt  }
0x69: {  	_ =	shalt  }
0x6a: {  	_ =	shalt  }
0x6b: {  	_ =	shalt  }
0x6c: {  	_ =	shalt  }
0x6d: {  	_ =	shalt  }
0x6e: {  	_ =	shalt  }
0x6f: {  	_ =	shalt  }
0x70: {  	_ =	shalt  }
0x71: {  	_ =	shalt  }
0x72: {  	_ =	shalt  }
0x73: {  	_ =	shalt  }
0x74: {  	_ =	shalt  }
0x75: {  	_ =	shalt  }
0x76: {  	_ =	shalt  }
0x77: {  	_ =	shalt  }
0x78: {  	_ =	shalt  }
0x79: {  	_ =	shalt  }
0x7a: {  	_ =	shalt  }
0x7b: {  	_ =	shalt  }
0x7c: {  	_ =	shalt  }
0x7d: {  	_ =	shalt  }
0x7e: {  	_ =	shalt  }
0x7f: {  	_ =	shalt  }
0x80: {  	_ =	shalt  }
0x81: {  	_ =	shalt  }
0x82: {  	_ =	shalt  }
0x83: {  	_ =	shalt  }
0x84: {  	_ =	shalt  }
0x85: {  	_ =	shalt  }
0x86: {  	_ =	shalt  }
0x87: {  	_ =	shalt  }
.Lfunc_end0:
.L_simem_size_0:
called_computation_lowered:
.L_overlay_start_0:
0x88: {  	s2 =	sld [smem:$0x3FD9]  }
0x89: {  	s3 =	sld [smem:$0x3FFE];
	_ =	sdelay $0x1  }
0x8a: {  	s1 =	srdreg.scid  }
0x8b: {  	s0 =	sand.u32 $0x1, s1  }
0x8c: {  	s17 =	sshll.u32 s0, $0xA;
	s2 =	sadd.s32 s3, s2  }
0x8d: {  	s2 =	sadd.s32 s2, s17  }
0x8e: {  	[smem:$0x3FC3] =	sst s2  }
0x8f: {  	_ = 	snop  }
0x90: {  	s2 =	sld [smem:$0x3FD0];
	(tm) =	ssettm $0x1  }
0x91: {  	s18 =	sld [smem:$0x3FFB];
	_ =	sdelay $0x3  }
0x92: {  	_ =	strace s18  }
0x93: {  	s3 =	sld [smem:$0x3FFC];
	_ =	sdelay $0x3  }
0x94: {  	_ =	strace s3  }
0x95: {  	s3 =	sld [smem:$0x3FFD];
	_ =	sdelay $0x3  }
0x96: {  	_ =	strace s3  }
0x97: {  	_ =	strace $0x8FFFFFFF  }
0x98: {  	s19 =	sld [smem:$0x3FDB];
	_ =	sdelay $0x1  }
0x99: {  	s4 =	simm.s32 $_scs_section_size  }
0x9a: {  	s5 =	simm.s32 $_size__tile_overlayer_lowered;
	s6 =	simm.s32 $_tile_overlayer_lowered  }
0x9b: {  	s22 =	simm.s32 $0x1BFF;
	s21 =	sshll.u32 s6, $0x1;
	s3 =	sadd.s32 s4, s19  }
0x9c: {  	s7 =	simm.s32 $0x0;
	s20 =	sshll.u32 s5, $0x1;
	s5 =	sadd.s32 s21, s3  }
0x9d: {  	[timem:s7], [sflag:s22] =	dma.local [hbm:s5], s20  }
0x9e: {  	_ =	swait.ge [sflag:s22], s20  }
0x9f: {  	s4 =	ssub.s32 $0x0, s20;
	[sflag:s22] =	ssyncset.done $0x0  }
0xa0: {  	[sflag:s22] =	ssyncadd.s32 s4;
	_ =	sdelay $0x1  }
0xa1: {  	s23 =	simm.s32 $0x1B8B  }
0xa2: {  	_ =	swait.ge [sflag:s23], $0x1  }
0xa3: {  	[sflag:s23] =	ssyncset.done $0x0  }
0xa4: {  	s25 =	simm.s32 $0x1B8E;
	s24 =	sld [smem:$0x3FFE];
	[sflag:s23] =	ssyncadd.s32 $0xFFFFFFFF  }
0xa5: {  	s26 =	simm.s32 $execute0_lowered;
	[smem:$0x3FD2] =	sst s25  }
0xa6: {  	s5 =	sshll.u32 s26, $0x1;
	_ =	strace $0x80000046;
	[dreg:$0x1] =	wrdreg $0xFFFFFFFF  }
0xa7: {  	s28 =	simm.s32 $_size_execute0_lowered;
	s3 =	sadd.s32 s3, s5;
	[dreg:$0x0] =	wrdreg $0x0  }
0xa8: {  	s5 =	sshll.u32 s28, $0x1;
	[dreg:$0x2] =	wrdreg s3  }
0xa9: {  	[dreg:$0x3] =	wrdreg s5  }
0xaa: {  	[dreg:$0x4] =	wrdreg $0xC0  }
0xab: {  	_ =	task [dreg:s7], $0x5FFFF  }
0xac: {  	[dreg:$0x1] =	wrdreg $0xFFFFFFFF  }
0xad: {  	[dreg:$0x0] =	wrdreg $0x60  }
0xae: {  	[dreg:$0x2] =	wrdreg s24  }
0xaf: {  	[dreg:$0x3] =	wrdreg s2  }
0xb0: {  	[dreg:$0x4] =	wrdreg $0x94000  }
0xb1: {  	[dreg:$0x5] =	wrdreg $0x9  }
0xb2: {  	_ =	task.clear_ibuf [dreg:s7], $0x6FFFF;
	_ =	strace $0x90000046  }
0xb3: {  	s29 =	simm.s32 $0x9;
	_ =	strace $0x80000048  }
0xb4: {  	_ =	swait.ge [sflag:s29], $0x1  }
0xb5: {  	[sflag:s29] =	ssyncadd.s32 $0xFFFFFFFF  }
0xb6: {  	_ =	strace $0x90000048  }
0xb7: {  	_ =	sfence  }
0xb8: {  	s30 =	sld [smem:$0x0];
	_ =	sdelay $0x2  }
0xb9: {  	s31 =	sshll.u32 s1, $0xD;
	s1 =	sshrl.u32 s1, $0x2  }
0xba: {  	s3 =	sand.u32 $0x4000, s31;
	s1 =	sadd.s32 s1, s30  }
0xbb: {  	s0 =	sor.u32 s3, s0;
	s1 =	sshll.u32 s1, $0x11  }
0xbc: {  	s0 =	sor.u32 s1, s0  }
0xbd: {  	s0 =	sadd.s32 $0x8F2B, s0  }
0xbe: {  	[sflag:s0] =	ssyncadd.remote.s32 $0x1  }
0xbf: {  	_ =	sfence.sel $0xFFFF  }
0xc0: {  	[dreg:$0x0] =	wrdreg $0xFFFFFFFF;
	(pc) =	sbr.abs _section_cstart, $3  }
0xc1: {  	[dreg:$0x1] =	wrdreg $0xFFFFFFFF  }
0xc2: {  	_ =	task.clear_ibuf [dreg:s7], $0x2FFFF;
	_ =	strace $0x9FFFFFFF  }
0xc3: {  	(tm) =	ssettm $0x7FFFFFFF  }
tec
execute0_lowered:
.L_overlay_start_1:
0x0: {  	(tag) =	ssettag $0x1  }
0x1: {  	s0 =	rddreg [dreg:$0x0]  }
0x2: {  	s1 =	rddreg [dreg:$0x1]  }
0x3: {  	s2 =	rddreg [dreg:$0x2];
	s3 =	srdreg.scid;
	s4 =	simm.s32 $0x0  }
0x4: {  	s10 =	stileid.u32;
	s17 =	simm.s32 $0x100;
	s18 =	simm.s32 $0x4E200  }
0x5: {  	s28 =	simm.s32 $0x4;
	s29 =	simm.s32 $0x180;
	s30 =	simm.s32 $0x5  }
0x6: {  	s31 =	simm.s32 $0x6;
	s12 =	simm.s32 $0x0;
	s3 =	sand.u32 $0x1, s3  }
0x7: {  	[smem:$0x7FF] =	sst s4;
	s7 =	smul.u32 $0x2BF2, s10;
	s5 =	sadd.s32 $0xC00, s0  }
0x8: {  	s8 =	sadd.s32 $0x2CC00, s0;
	s20 =	smul.u32 $0x5A000, s10;
	s11 =	sshll.u32 s10, $0x6  }
0x9: {  	s23 =	smul.u32 $0x57E40, s10;
	s26 =	sshll.u32 s10, $0x5;
	s14 =	sadd.s32 $0x9C20, s1  }
0xa: {  	s6 =	smul.u32 $0x2BF20, s3;
	_ =	strace $0x80000047;
	[dreg:$0x4] =	wrdreg s8  }
0xb: {  	s19 =	ssub.s32 $0x2, s3;
	s9 =	sshll.u32 s3, $0x4;
	[dreg:$0x5] =	wrdreg s11  }
0xc: {  	s11 =	sor.u32 $0x1C07, s11;
	s24 =	sshll.u32 s3, $0x9;
	s21 =	sshrl.u32 s19, $0x1  }
0xd: {  	s8 =	sshrl.u32 s20, $0x2;
	[dreg:$0x6] =	wrdreg s11;
	s25 =	sshrl.u32 s23, $0x2  }
0xe: {  	s20 =	simm.s32 $0x1;
	s23 =	simm.s32 $0x4C00;
	s6 =	sadd.s32 s7, s6  }
0xf: {  	s7 =	sor.u32 s10, s9;
	s8 =	sadd.s32 s8, s2;
	s3 =	sadd.s32 s25, s2  }
0x10: {  	s0 =	sadd.s32 s6, s0;
	s6 =	ssub.s32 s19, s21;
	s9 =	sshll.u32 s7, $0x5  }
0x11: {  	s16 =	sshrl.u32 s8, $0x3;
	s19 =	simm.s32 $0x200;
	s21 =	simm.s32 $0x80  }
0x12: {  	p0 =	sgt.u32 s7, $0x1;
	s25 =	sshrl.u32 s3, $0x3;
	s22 =	sadd.s32 s1, s9  }
0x13: {  	s3 =	simm.s32 $0x280;
	s0 =	sadd.s32 $0x2FA00, s0;
	[dreg:$0x7] =	wrdreg s22  }
0x14: {  	s6 =	smax.u32 s6, $0x1;
	s9 =	simm.s32 $0x380;
	[dreg:$0x9] =	wrdreg s0  }
0x15: {  	s11 =	sadd.s32 $0x400, s22;
	s0 =	sadd.s32 s24, s1;
	[dreg:$0xa] =	wrdreg s6  }
0x16: {  	s22 =	simm.s32 $0x400;
	s24 =	simm.s32 $0x7;
	s6 =	simm.s32 $0x300  }
0x17: {  	[dreg:$0x8] =	wrdreg s11;
	s0 =	sadd.s32 s26, s0;
	s26 =	simm.s32 $0x3  }
0x18: {  	s11 =	simm.s32 $0x8;
	s15 =	sadd.s32 $0x800, s0;
	s0 =	simm.s32 $0x2  }
.LBB2_1:
0x19: {  	s8 =	rddreg [dreg:$0x4]  }
0x1a: {  	s10 =	rddreg [dreg:$0x6]  }
0x1b: {  	[spmem:s16], [sflag:s10] =	dma.local [hbm:s8], $0x2D00  }
0x1c: {  	s8 =	rddreg [dreg:$0x7]  }
0x1d: {  	[tilespmem:s4], [sflag:$0x1] =	stream.strided.gather [hbm4b:s8+s17], $0x200, s18, s17, $0x38;
	[tilespmem:$0x1FC00] =	vst v63  }
0x1e: {  	s13 =	rddreg [dreg:$0x8]  }
0x1f: {  	[tilespmem:s19], [sflag:$0x2] =	stream.strided.gather [hbm4b:s13+s17], $0x200, s18, s17, $0x38;
	[tilespmem:$0x1FC00] =	vst v63  }
0x20: {  	_ =	swait.ge [sflag:s20], $0x200  }
0x21: {  	[sflag:s20] =	ssyncset.done $0x0  }
0x22: {  	[sflag:s20] =	ssyncadd.s32 $0xFFFFFE00  }
0x23: {  	[tilespmem:s22], [sflag:$0x3] =	stream.indirect.gather [hbm4b:s5+s21], $0x90, s4, s21, $0xb8;
	[tilespmem:$0x1FC00] =	vst v63  }
0x24: {  	_ = 	snop  }
0x25: {  	[tilespmem:s23], [sflag:$0x4] =	stream.indirect.gather [hbm4b:s5+s21], $0x90, s21, s21, $0xb8;
	[tilespmem:$0x1FC00] =	vst v63  }
0x26: {  	_ =	swait.ge [sflag:s24], $0x2D00  }
0x27: {  	[sflag:s24] =	ssyncset.done $0x0  }
0x28: {  	[sflag:s24] =	ssyncadd.s32 $0xFFFFD300  }
0x29: {  	[bflag:$0x0] =	sbarrier.arrive $0xFFFF  }
0x2a: {  	_ =	swait.ge [sflag:s26], $0x4800  }
0x2b: {  	[sflag:s26] =	ssyncset.done $0x0  }
0x2c: {  	[sflag:s26] =	ssyncadd.s32 $0xFFFFB800  }
0x2d: {  	_ =	swait.ge [sflag:s28], $0x4800  }
0x2e: {  	[sflag:s28] =	ssyncset.done $0x0  }
0x2f: {  	[sflag:s28] =	ssyncadd.s32 $0xFFFFB800  }
0x30: {  	[spmem:s2] =	stream.indirect.scatter.add.f32 [tilespmem:s22], [sflag:$0x5], $0x90, s17, s21, $0xb8;
	[tilespmem:$0x1FC00] =	vst v63  }
0x31: {  	_ = 	snop  }
0x32: {  	[spmem:s2] =	stream.indirect.scatter.add.f32 [tilespmem:s23], [sflag:$0x6], $0x90, s29, s21, $0xb8;
	[tilespmem:$0x1FC00] =	vst v63  }
0x33: {  	_ =	swait.ge [sflag:s30], $0x4800  }
0x34: {  	[sflag:s30] =	ssyncset.done $0x0  }
0x35: {  	[sflag:s30] =	ssyncadd.s32 $0xFFFFB800  }
0x36: {  	_ =	swait.ge [sflag:s31], $0x4800  }
0x37: {  	[sflag:s31] =	ssyncset.done $0x0  }
0x38: {  	[sflag:s31] =	ssyncadd.s32 $0xFFFFB800  }
0x39: {  	[tilespmem:s4], [sflag:$0x1] =	stream.strided.gather [hbm4b:s15+s17], $0x200, s18, s17, $0x38;
	[tilespmem:$0x1FC00] =	vst v63  }
0x3a: {  	_ =	swait.ge [sflag:s0], $0x200  }
0x3b: {  	[sflag:s0] =	ssyncset.done $0x0  }
0x3c: {  	[sflag:s0] =	ssyncadd.s32 $0xFFFFFE00  }
0x3d: {  	[tilespmem:s22], [sflag:$0x3] =	stream.indirect.gather [hbm4b:s5+s21], $0x90, s19, s21, $0xb8;
	[tilespmem:$0x1FC00] =	vst v63  }
0x3e: {  	_ = 	snop  }
0x3f: {  	[tilespmem:s23], [sflag:$0x4] =	stream.indirect.gather [hbm4b:s5+s21], $0x90, s3, s21, $0xb8;
	[tilespmem:$0x1FC00] =	vst v63  }
0x40: {  	_ =	swait.ge [sflag:s26], $0x4800  }
0x41: {  	[sflag:s26] =	ssyncset.done $0x0  }
0x42: {  	[sflag:s26] =	ssyncadd.s32 $0xFFFFB800  }
0x43: {  	_ =	swait.ge [sflag:s28], $0x4800  }
0x44: {  	[sflag:s28] =	ssyncset.done $0x0  }
0x45: {  	[sflag:s28] =	ssyncadd.s32 $0xFFFFB800  }
0x46: {  	[spmem:s2] =	stream.indirect.scatter.add.f32 [tilespmem:s22], [sflag:$0x5], $0x90, s6, s21, $0xb8;
	[tilespmem:$0x1FC00] =	vst v63  }
0x47: {  	_ = 	snop  }
0x48: {  	[spmem:s2] =	stream.indirect.scatter.add.f32 [tilespmem:s23], [sflag:$0x6], $0x90, s9, s21, $0xb8;
	[tilespmem:$0x1FC00] =	vst v63  }
0x49: {  	_ =	swait.ge [sflag:s30], $0x4800  }
0x4a: {  	s8 =	sadd.s32 $0x60, s7;
	[sflag:s30] =	ssyncset.done $0x0  }
0x4b: {  	p1 =	slt.s32 s8, $0x4E1;
	[sflag:s30] =	ssyncadd.s32 $0xFFFFB800  }
0x4c: {  	s8 =	simm.s32 @!p1 $0x4E1;
	_ =	swait.ge [sflag:s31], $0x4800  }
0x4d: {  	s8 =	sshll.u32 s8, $0x5;
	[sflag:s31] =	ssyncset.done $0x0  }
0x4e: {  	s8 =	sadd.s32 s1, s8;
	[sflag:s31] =	ssyncadd.s32 $0xFFFFB800  }
0x4f: {  	[tilespmem:s19], [sflag:$0x2] =	stream.strided.gather [hbm4b:s8+s17], $0x200, s18, s17, $0x38;
	[tilespmem:$0x1FC00] =	vst v63  }
0x50: {  	_ =	swait.ge [sflag:s20], $0x200  }
0x51: {  	[sflag:s20] =	ssyncset.done $0x0  }
0x52: {  	s10 =	sadd.s32 $0x800, s15;
	s8 =	simm.s32 $0xA0;
	[sflag:s20] =	ssyncadd.s32 $0xFFFFFE00  }
0x53: {  	[tilespmem:s22], [sflag:$0x3] =	stream.indirect.gather [hbm4b:s5+s21], $0x90, s4, s21, $0xb8;
	[tilespmem:$0x1FC00] =	vst v63  }
.LBB2_2:
0x54: {  	[tilespmem:s23], [sflag:$0x4] =	stream.indirect.gather [hbm4b:s5+s21], $0x90, s21, s21, $0xb8;
	[tilespmem:$0x1FC00] =	vst v63  }
0x55: {  	s13 =	smov.u32 s8  }
0x56: {  	p1 =	sne.s32 s8, $0x4E0;
	s8 =	sadd.s32 $0x40, s8;
	_ =	swait.ge [sflag:s26], $0x4800  }
0x57: {  	[sflag:s26] =	ssyncset.done $0x0  }
0x58: {  	[sflag:s26] =	ssyncadd.s32 $0xFFFFB800  }
0x59: {  	_ =	swait.ge [sflag:s28], $0x4800  }
0x5a: {  	[sflag:s28] =	ssyncset.done $0x0  }
0x5b: {  	[sflag:s28] =	ssyncadd.s32 $0xFFFFB800  }
0x5c: {  	[spmem:s2] =	stream.indirect.scatter.add.f32 [tilespmem:s22], [sflag:$0x5], $0x90, s17, s21, $0xb8;
	[tilespmem:$0x1FC00] =	vst v63  }
0x5d: {  	_ = 	snop  }
0x5e: {  	[spmem:s2] =	stream.indirect.scatter.add.f32 [tilespmem:s23], [sflag:$0x6], $0x90, s29, s21, $0xb8;
	[tilespmem:$0x1FC00] =	vst v63  }
0x5f: {  	_ =	swait.ge [sflag:s30], $0x4800  }
0x60: {  	[sflag:s30] =	ssyncset.done $0x0  }
0x61: {  	[sflag:s30] =	ssyncadd.s32 $0xFFFFB800  }
0x62: {  	_ =	swait.ge [sflag:s31], $0x4800  }
0x63: {  	[sflag:s31] =	ssyncset.done $0x0  }
0x64: {  	[sflag:s31] =	ssyncadd.s32 $0xFFFFB800  }
0x65: {  	[tilespmem:s4], [sflag:$0x1] =	stream.strided.gather [hbm4b:s10+s17], $0x200, s18, s17, $0x38;
	[tilespmem:$0x1FC00] =	vst v63  }
0x66: {  	_ =	swait.ge [sflag:s0], $0x200  }
0x67: {  	[sflag:s0] =	ssyncset.done $0x0  }
0x68: {  	[sflag:s0] =	ssyncadd.s32 $0xFFFFFE00  }
0x69: {  	[tilespmem:s22], [sflag:$0x3] =	stream.indirect.gather [hbm4b:s5+s21], $0x90, s19, s21, $0xb8;
	[tilespmem:$0x1FC00] =	vst v63  }
0x6a: {  	_ = 	snop  }
0x6b: {  	[tilespmem:s23], [sflag:$0x4] =	stream.indirect.gather [hbm4b:s5+s21], $0x90, s3, s21, $0xb8;
	[tilespmem:$0x1FC00] =	vst v63  }
0x6c: {  	_ =	swait.ge [sflag:s26], $0x4800  }
0x6d: {  	[sflag:s26] =	ssyncset.done $0x0  }
0x6e: {  	[sflag:s26] =	ssyncadd.s32 $0xFFFFB800  }
0x6f: {  	_ =	swait.ge [sflag:s28], $0x4800  }
0x70: {  	[sflag:s28] =	ssyncset.done $0x0  }
0x71: {  	[sflag:s28] =	ssyncadd.s32 $0xFFFFB800  }
0x72: {  	[spmem:s2] =	stream.indirect.scatter.add.f32 [tilespmem:s22], [sflag:$0x5], $0x90, s6, s21, $0xb8;
	[tilespmem:$0x1FC00] =	vst v63  }
0x73: {  	_ = 	snop  }
0x74: {  	[spmem:s2] =	stream.indirect.scatter.add.f32 [tilespmem:s23], [sflag:$0x6], $0x90, s9, s21, $0xb8;
	[tilespmem:$0x1FC00] =	vst v63  }
0x75: {  	_ =	swait.ge [sflag:s30], $0x4800  }
0x76: {  	s13 =	sadd.s32 s13, s7;
	[sflag:s30] =	ssyncset.done $0x0  }
0x77: {  	p2 =	slt.s32 s13, $0x4E1;
	[sflag:s30] =	ssyncadd.s32 $0xFFFFB800  }
0x78: {  	s13 =	simm.s32 @!p2 $0x4E1;
	_ =	swait.ge [sflag:s31], $0x4800  }
0x79: {  	s13 =	sshll.u32 s13, $0x5;
	[sflag:s31] =	ssyncset.done $0x0  }
0x7a: {  	s13 =	sadd.s32 s1, s13;
	[sflag:s31] =	ssyncadd.s32 $0xFFFFB800  }
0x7b: {  	[tilespmem:s19], [sflag:$0x2] =	stream.strided.gather [hbm4b:s13+s17], $0x200, s18, s17, $0x38;
	[tilespmem:$0x1FC00] =	vst v63  }
.Ltmp0:
0x7c: {  	_ =	swait.ge [sflag:s20], $0x200;
	(pc) =	sbr.rel @p1 .LBB2_2-.Ltmp0, $4  }
0x7d: {  	[sflag:s20] =	ssyncset.done $0x0  }
0x7e: {  	[sflag:s20] =	ssyncadd.s32 $0xFFFFFE00  }
0x7f: {  	[tilespmem:s22], [sflag:$0x3] =	stream.indirect.gather [hbm4b:s5+s21], $0x90, s4, s21, $0xb8;
	[tilespmem:$0x1FC00] =	vst v63  }
0x80: {  	s10 =	sadd.s32 $0x800, s10  }
0x81: {  	[tilespmem:s23], [sflag:$0x4] =	stream.indirect.gather [hbm4b:s5+s21], $0x90, s21, s21, $0xb8;
	[tilespmem:$0x1FC00] =	vst v63  }
0x82: {  	_ =	swait.ge [sflag:s26], $0x4800  }
0x83: {  	[sflag:s26] =	ssyncset.done $0x0  }
0x84: {  	[sflag:s26] =	ssyncadd.s32 $0xFFFFB800  }
0x85: {  	_ =	swait.ge [sflag:s28], $0x4800  }
0x86: {  	[sflag:s28] =	ssyncset.done $0x0  }
0x87: {  	[sflag:s28] =	ssyncadd.s32 $0xFFFFB800  }
0x88: {  	[spmem:s2] =	stream.indirect.scatter.add.f32 [tilespmem:s22], [sflag:$0x5], $0x90, s17, s21, $0xb8;
	[tilespmem:$0x1FC00] =	vst v63  }
0x89: {  	_ = 	snop  }
0x8a: {  	[spmem:s2] =	stream.indirect.scatter.add.f32 [tilespmem:s23], [sflag:$0x6], $0x90, s29, s21, $0xb8;
	[tilespmem:$0x1FC00] =	vst v63  }
0x8b: {  	_ =	swait.ge [sflag:s30], $0x4800  }
0x8c: {  	[sflag:s30] =	ssyncset.done $0x0  }
0x8d: {  	[sflag:s30] =	ssyncadd.s32 $0xFFFFB800  }
0x8e: {  	_ =	swait.ge [sflag:s31], $0x4800  }
0x8f: {  	[sflag:s31] =	ssyncset.done $0x0  }
0x90: {  	[sflag:s31] =	ssyncadd.s32 $0xFFFFB800  }
0x91: {  	[tilespmem:s4], [sflag:$0x1] =	stream.strided.gather [hbm4b:s14+s17], $0x200, s18, s17, $0x38;
	[tilespmem:$0x1FC00] =	vst v63  }
0x92: {  	_ =	swait.ge [sflag:s0], $0x200  }
0x93: {  	[sflag:s0] =	ssyncset.done $0x0  }
0x94: {  	[sflag:s0] =	ssyncadd.s32 $0xFFFFFE00  }
0x95: {  	[tilespmem:s22], [sflag:$0x3] =	stream.indirect.gather [hbm4b:s5+s21], $0x90, s19, s21, $0xb8;
	[tilespmem:$0x1FC00] =	vst v63  }
0x96: {  	_ = 	snop  }
0x97: {  	[tilespmem:s23], [sflag:$0x4] =	stream.indirect.gather [hbm4b:s5+s21], $0x90, s3, s21, $0xb8;
	[tilespmem:$0x1FC00] =	vst v63  }
0x98: {  	_ =	swait.ge [sflag:s26], $0x4800  }
0x99: {  	[sflag:s26] =	ssyncset.done $0x0  }
0x9a: {  	[sflag:s26] =	ssyncadd.s32 $0xFFFFB800  }
0x9b: {  	_ =	swait.ge [sflag:s28], $0x4800  }
0x9c: {  	s8 =	simm.s32 @!p0 $0x80;
	[sflag:s28] =	ssyncset.done $0x0  }
0x9d: {  	s10 =	simm.s32 @!p0 $0x300;
	s13 =	simm.s32 @!p0 $0x400;
	[sflag:s28] =	ssyncadd.s32 $0xFFFFB800  }
0x9e: {  	[spmem:s2] =	stream.indirect.scatter.add.f32 @!p0 [tilespmem:s13], [sflag:$0x5], $0x90, s10, s8, $0xb8;
	[tilespmem:$0x1FC00] =	vst v63  }
0x9f: {  	s10 =	simm.s32 @!p0 $0x380;
	s13 =	simm.s32 @!p0 $0x4C00  }
0xa0: {  	[spmem:s2] =	stream.indirect.scatter.add.f32 @!p0 [tilespmem:s13], [sflag:$0x6], $0x90, s10, s8, $0xb8;
	[tilespmem:$0x1FC00] =	vst v63  }
0xa1: {  	s8 =	simm.s32 @!p0 $0x5  }
0xa2: {  	_ =	swait.ge @!p0 [sflag:s8], $0x4800  }
0xa3: {  	[sflag:s8] =	ssyncset.done @!p0 $0x0  }
0xa4: {  	[sflag:s8] =	ssyncadd.s32 @!p0 $0xFFFFB800;
	s8 =	simm.s32 @!p0 $0x6  }
0xa5: {  	_ =	swait.ge @!p0 [sflag:s8], $0x4800  }
0xa6: {  	[sflag:s8] =	ssyncset.done @!p0 $0x0  }
0xa7: {  	[sflag:s8] =	ssyncadd.s32 @!p0 $0xFFFFB800  }
0xa8: {  	[tilespmem:s19], [sflag:$0x2] =	stream.strided.gather [hbm4b:s14+s17], $0x200, s18, s17, $0x38;
	[tilespmem:$0x1FC00] =	vst v63  }
0xa9: {  	_ =	swait.ge [sflag:s20], $0x200  }
0xaa: {  	[sflag:s20] =	ssyncset.done $0x0  }
0xab: {  	[sflag:s20] =	ssyncadd.s32 $0xFFFFFE00  }
0xac: {  	[tilespmem:s22], [sflag:$0x3] =	stream.indirect.gather [hbm4b:s5+s21], $0x90, s4, s21, $0xb8;
	[tilespmem:$0x1FC00] =	vst v63  }
0xad: {  	_ = 	snop  }
0xae: {  	[tilespmem:s23], [sflag:$0x4] =	stream.indirect.gather [hbm4b:s5+s21], $0x90, s21, s21, $0xb8;
	[tilespmem:$0x1FC00] =	vst v63  }
0xaf: {  	_ =	swait.ge [sflag:s0], $0x200  }
0xb0: {  	[sflag:s0] =	ssyncset.done $0x0  }
0xb1: {  	[sflag:s0] =	ssyncadd.s32 $0xFFFFFE00  }
0xb2: {  	_ =	swait.ge [sflag:s26], $0x4800  }
0xb3: {  	[sflag:s26] =	ssyncset.done $0x0  }
0xb4: {  	[sflag:s26] =	ssyncadd.s32 $0xFFFFB800  }
0xb5: {  	_ =	swait.ge [sflag:s28], $0x4800  }
0xb6: {  	[sflag:s28] =	ssyncset.done $0x0  }
0xb7: {  	[sflag:s28] =	ssyncadd.s32 $0xFFFFB800  }
0xb8: {  	[bflag:$0x0] =	sbarrier.arrive $0xFFFF  }
0xb9: {  	s10 =	rddreg [dreg:$0x5]  }
0xba: {  	s13 =	rddreg [dreg:$0x9];
	s8 =	sor.u32 $0x1C08, s10  }
0xbb: {  	[hbm:s13], [sflag:s8] =	dma.local [spmem:s25], $0x2BF2  }
0xbc: {  	_ =	swait.ge [sflag:s11], $0x2BF2  }
0xbd: {  	s12 =	sadd.s32 $0x1, s12;
	s13 =	rddreg [dreg:$0xa]  }
0xbe: {  	p1 =	sne.s32 s12, s13  }
.Ltmp1:
0xbf: {  	_ = 	snop;
	(pc) =	sbr.rel @p1 .LBB2_1-.Ltmp1, $3  }
0xc0: {  	_ =	sdelay $0x1  }
0xc1: {  	[sflag:s11] =	ssyncset.done $0x0  }
0xc2: {  	[sflag:s11] =	ssyncadd.s32 $0xFFFFD40E  }
0xc3: {  	_ =	sfence.sel $0x180000  }
0xc4: {  	[bflag:$0x0] =	sbarrier.arrive $0xFFFF  }
0xc5: {  	_ =	strace $0x90000047  }
0xc6: {  	s0 =	stileid.u32;
	[bflag:$0x2] =	sbarrier.arrive $0xFFFF  }
0xc7: {  	p0 =	sne.s32 s0, $0x0;
	s0 =	rddreg [dreg:$0x3]  }
0xc8: {  	s0 =	sadd.s32 @!p0 $0x100000, s0  }
0xc9: {  	[sflag:s0] =	ssyncadd.tile.s32 @!p0 $0x1;
	_ =	shalt  }
.Lfunc_end2:
_tile_overlayer_lowered:
.L_overlay_start_2:
0xca: {  	(tag) =	ssettag $0x2  }
0xcb: {  	s0 =	rddreg [dreg:$0x0];
	s2 =	stileid.u32  }
0xcc: {  	s1 =	rddreg [dreg:$0x1];
	p0 =	sne.s32 s2, $0x0  }
0xcd: {  	s3 =	rddreg [dreg:$0x2];
	[bflag:$0x3] =	sbarrier.arrive $0xFFFF;
	s2 =	simm.s32 @!p0 $0x1C08  }
0xce: {  	[timem:s3], [sflag:s2] =	dma.local @!p0 [hbm:s0], s1  }
0xcf: {  	s0 =	simm.s32 @!p0 $0x8  }
0xd0: {  	_ =	swait.ge @!p0 [sflag:s0], s1  }
0xd1: {  	s1 =	ssub.s32 @!p0 $0x0, s1;
	[sflag:s0] =	ssyncset.done @!p0 $0x0  }
0xd2: {  	[sflag:s0] =	ssyncadd.s32 @!p0 s1  }
0xd3: {  	[bflag:$0x3] =	sbarrier.arrive $0xFFFF  }
0xd4: {  	_ =	shalt  }

</sc_bundles>
